<compile_context>
chip_gen: v7x
topology: tpu7x:2x2x1
jax: 0.10.2.dev20260603
libtpu: 0.0.44.dev20260713+nightly
codegen_flags: <defaults>
</compile_context>

<pallas_src>
import functools

import jax
import jax.numpy as jnp
from jax import lax
from jax.experimental import pallas as pl
from jax.experimental.pallas import tpu as pltpu
from jax.experimental.pallas import tpu_sc as plsc

_MASK_TOKEN_ID = 32
_MASK_RATIO_TRAIN = 0.15 * 0.8

_NC = 2
_NS = 16
_NW = _NC * _NS

_CHUNK = 32
_NBUF = 3

_SC_FRAC_NUM, _SC_FRAC_DEN = 1, 2
_BT = 512


def _prep_body(cu_ref, ids_ref, tab_ref, tabout_ref, comb_ref, ptf_ref):
    V = tab_ref.shape[0]
    B = tabout_ref.shape[0] // V
    ids = ids_ref[...]
    pos = lax.broadcasted_iota(jnp.int32, ids.shape, 1)
    seg = jnp.zeros(ids.shape, jnp.int32)
    for j in range(1, B):
        seg = seg + jnp.where(pos >= cu_ref[j], 1, 0)
    comb_ref[...] = seg * V + ids
    masked = jnp.where(ids == _MASK_TOKEN_ID, 1.0, 0.0)
    tab = tab_ref[...]
    row = lax.broadcasted_iota(jnp.int32, tab.shape, 0)
    tabz = jnp.where(row == _MASK_TOKEN_ID, 0.0, tab)
    ptf = jnp.zeros(ids.shape, jnp.float32)
    for b in range(B):
        nm = jnp.sum(jnp.where(seg == b, masked, 0.0))
        ln = (cu_ref[b + 1] - cu_ref[b]).astype(jnp.float32)
        scale = (1.0 - _MASK_RATIO_TRAIN) / (1.0 - nm / ln)
        ptf = jnp.where(seg == b, scale, ptf)
        tabout_ref[pl.ds(b * V, V), :] = tabz * scale
    ptf_ref[...] = ptf * (1.0 - masked)


def _gather_body(nchunk, tok_per_w, comb_hbm, tab_hbm, out_hbm, idx_v, *rest):
    bufs = rest[:_NBUF]
    gsems = rest[_NBUF:2 * _NBUF]
    ssems = rest[2 * _NBUF:3 * _NBUF]
    wid = lax.axis_index("c") * _NS + lax.axis_index("s")
    base = wid * tok_per_w
    pltpu.sync_copy(comb_hbm.at[0, pl.ds(base, tok_per_w)], idx_v)

    def idxr(g):
        return idx_v.at[pl.ds(g * _CHUNK, _CHUNK)]

    gcp = [None] * nchunk
    scp = [None] * nchunk
    for g in range(_NBUF):
        gcp[g] = pltpu.async_copy(tab_hbm.at[idxr(g)], bufs[g], gsems[g])
    for g in range(nchunk):
        r = g % _NBUF
        gcp[g].wait()
        scp[g] = pltpu.async_copy(
            bufs[r], out_hbm.at[pl.ds(base + g * _CHUNK, _CHUNK)], ssems[r])
        h = g - 1 + _NBUF
        if g >= 1 and h < nchunk:
            rr = (g - 1) % _NBUF
            scp[g - 1].wait()
            gcp[h] = pltpu.async_copy(tab_hbm.at[idxr(h)], bufs[rr], gsems[rr])
    for g in range(max(0, nchunk - _NBUF), nchunk):
        scp[g].wait()


def _fill_body(sc_out_ref, ids_ref, ptf_ref, tab_ref, out_ref):
    del sc_out_ref
    V, D = tab_ref.shape
    BT = ids_ref.shape[1]
    ids = ids_ref[...].reshape(BT, 1)
    ptf = ptf_ref[...].reshape(BT, 1)
    vocab = lax.broadcasted_iota(jnp.int32, (BT, V), 1)
    onehot = jnp.where(ids == vocab, ptf, 0.0)
    tab = tab_ref[...]
    row = lax.broadcasted_iota(jnp.int32, tab.shape, 0)
    tabz = jnp.where(row == _MASK_TOKEN_ID, 0.0, tab)
    out_ref[...] = jnp.dot(onehot, tabz,
                           preferred_element_type=jnp.float32)


def kernel(input_ids, cu_seq_lens_q, cu_seq_lens_k, max_length_q, max_length_k, word_embeddings):
    T = input_ids.shape[1]
    V, D = word_embeddings.shape
    B = cu_seq_lens_q.shape[0] - 1
    T1 = (T * _SC_FRAC_NUM // _SC_FRAC_DEN)
    tok_per_w = T1 // _NW
    nchunk = tok_per_w // _CHUNK
    nb = (T - T1) // _BT
    assert tok_per_w * _NW == T1 and nchunk * _CHUNK == tok_per_w
    assert T1 % _BT == 0 and nb * _BT == T - T1

    scaled, comb, ptf = pl.pallas_call(
        _prep_body,
        out_shape=(
            jax.ShapeDtypeStruct((B * V, D), jnp.float32),
            jax.ShapeDtypeStruct((1, T), jnp.int32),
            jax.ShapeDtypeStruct((1, T), jnp.float32),
        ),
        in_specs=[
            pl.BlockSpec(memory_space=pltpu.SMEM),
            pl.BlockSpec(memory_space=pltpu.VMEM),
            pl.BlockSpec(memory_space=pltpu.VMEM),
        ],
        out_specs=(
            pl.BlockSpec(memory_space=pltpu.VMEM),
            pl.BlockSpec(memory_space=pltpu.VMEM),
            pl.BlockSpec(memory_space=pltpu.VMEM),
        ),
    )(cu_seq_lens_q, input_ids, word_embeddings)

    gather = pl.kernel(
        functools.partial(_gather_body, nchunk, tok_per_w),
        out_type=jax.ShapeDtypeStruct((T, D), jnp.float32),
        mesh=plsc.VectorSubcoreMesh(core_axis_name="c", subcore_axis_name="s",
                                    num_cores=_NC, num_subcores=_NS),
        scratch_types=(
            [pltpu.VMEM((tok_per_w,), jnp.int32)]
            + [pltpu.VMEM((_CHUNK, D), jnp.float32) for _ in range(_NBUF)]
            + [pltpu.SemaphoreType.DMA for _ in range(2 * _NBUF)]
        ),
    )
    sc_out = gather(comb, scaled)

    blk0 = T1 // _BT
    out = pl.pallas_call(
        _fill_body,
        grid=(nb,),
        out_shape=jax.ShapeDtypeStruct((T, D), jnp.float32),
        in_specs=[
            pl.BlockSpec(memory_space=pl.ANY),
            pl.BlockSpec((1, _BT), lambda i: (0, blk0 + i)),
            pl.BlockSpec((1, _BT), lambda i: (0, blk0 + i)),
            pl.BlockSpec((V, D), lambda i: (0, 0)),
        ],
        out_specs=pl.BlockSpec((_BT, D), lambda i: (blk0 + i, 0)),
        input_output_aliases={0: 0},
    )(sc_out, input_ids, ptf, word_embeddings)
    return out.reshape(1, T, D)

# --- scband reference (transcript-rebuilt; emitter-appended) ---
"""Pipeline reference for scband-nvesm-embeddings-25366076850340 (READ-ONLY COPY).

The authoritative reference and input builder live on the scoring server;
editing this copy changes nothing except your own understanding.
"""

import jax, jax.numpy as jnp
import numpy as np

T = 16384
B = 16
V = 64
D = 1280
MASK_TOKEN_ID = 32
PAD_TOKEN_ID = 1


def setup_inputs(seed: int = 0) -> dict:
    key = jax.random.key(seed)
    k1, k2, k3 = jax.random.split(key, 3)
    input_ids = jax.random.randint(k1, (1, T), 0, V).astype(jnp.int32)
    inner = jnp.sort(jax.random.randint(k2, (B - 1,), 1, T)).astype(jnp.int32)
    cu = jnp.concatenate([jnp.zeros((1,), jnp.int32), inner, jnp.full((1,), T, jnp.int32)])
    table = jax.random.normal(k3, (V, D), dtype=jnp.float32) * 0.02
    table = table.at[PAD_TOKEN_ID].set(0.0)  # padding_idx row is zero
    return {
        'input_ids': input_ids,
        'cu_seq_lens_q': cu,
        'cu_seq_lens_k': cu,
        'max_length_q': 2048,
        'max_length_k': 2048,
        'word_embeddings': table,
    }


def reference(input_ids, cu_seq_lens_q, cu_seq_lens_k, max_length_q, max_length_k, word_embeddings):
    # THD path: cu_seq_lens/max_length provided -> attention_mask = None
    # 1) embedding lookup
    emb = jnp.take(word_embeddings, input_ids, axis=0)  # [1, T, D]
    # 2) token dropout: zero out mask-token embeddings
    is_mask = (input_ids == MASK_TOKEN_ID)  # [1, T]
    emb = jnp.where(is_mask[..., None], 0.0, emb)
    # 3) per-sequence rescaling over jagged segments
    src_lengths = jnp.diff(cu_seq_lens_q).astype(jnp.float32)  # [B]
    seg_ids = jnp.searchsorted(cu_seq_lens_q, jnp.arange(T), side='right') - 1  # [T]
    seg_ids = jnp.clip(seg_ids, 0, B - 1)
    is_masked_flat = is_mask[0].astype(jnp.float32)  # squeeze(0)
    n_masked_per_seq = jax.ops.segment_sum(is_masked_flat, seg_ids, num_segments=B)  # [B]
    mask_ratio_train = 0.15 * 0.8
    mask_ratio_observed = n_masked_per_seq / src_lengths
    scale_factor = (1.0 - mask_ratio_train) / (1.0 - mask_ratio_observed)  # [B]
    per_token_scale = scale_factor[seg_ids]  # == repeat_interleave(scale, src_lengths)
    emb = (emb * per_token_scale[None, :, None]).astype(emb.dtype)
    # emb_layer_norm_before = False -> no layer norm; attention_mask is None in THD
    return emb

if __name__ == "__main__":
    import jax
    _d = setup_inputs()
    print(jax.jit(kernel)(*tuple(_d.values())))

</pallas_src>

<mosaic_0001>
#map = affine_map<(d0, d1) -> (0, 0)>
module attributes {stable_mosaic.version = 14 : i64} {
  func.func @_gather_body(%arg0: i32, %arg1: i32, %arg2: memref<1x16384xi32, #tpu.memory_space<hbm>>, %arg3: memref<1024x1280xf32, #tpu.memory_space<hbm>>, %arg4: memref<16384x1280xf32, #tpu.memory_space<hbm>>, %arg5: memref<256xi32, #tpu.memory_space<vmem>>, %arg6: memref<32x1280xf32, #tpu.memory_space<vmem>>, %arg7: memref<32x1280xf32, #tpu.memory_space<vmem>>, %arg8: memref<32x1280xf32, #tpu.memory_space<vmem>>, %arg9: memref<!tpu.dma_semaphore, #tpu.memory_space<semaphore_mem>>, %arg10: memref<!tpu.dma_semaphore, #tpu.memory_space<semaphore_mem>>, %arg11: memref<!tpu.dma_semaphore, #tpu.memory_space<semaphore_mem>>, %arg12: memref<!tpu.dma_semaphore, #tpu.memory_space<semaphore_mem>>, %arg13: memref<!tpu.dma_semaphore, #tpu.memory_space<semaphore_mem>>, %arg14: memref<!tpu.dma_semaphore, #tpu.memory_space<semaphore_mem>>) attributes {dimension_semantics = [#tpu.dimension_semantics<core_parallel>, #tpu.dimension_semantics<subcore_parallel>], iteration_bounds = array<i64: 2, 16>, scalar_prefetch = 0 : i64, scratch_operands = 10 : i64, tpu.core_type = #tpu.core_type<sc_vector_subcore>, window_params = [{transform_indices = #map}, {transform_indices = #map}, {transform_indices = #map}]} {
    %mul3A = arith.constant 16 : i32
    %mul3A_0 = arith.muli %arg0, %mul3A : i32
    %add3A = arith.addi %mul3A_0, %arg1 : i32
    %mul3A_1 = arith.constant 256 : i32
    %mul3A_2 = arith.muli %add3A, %mul3A_1 : i32
    %run_scoped3A = arith.constant 0 : i32
    "tpu.region"() ({
      %run_scoped3A_161 = tpu.sem_alloc : memref<!tpu.dma_semaphore, #tpu.memory_space<semaphore_mem>>
      %dma_start3A_162 = tpu.memref_slice %arg2[%run_scoped3A, %mul3A_2] : memref<1x16384xi32, #tpu.memory_space<hbm>> -> memref<1x256xi32, #tpu.memory_space<hbm>>
      %dma_start3A_163 = tpu.memref_squeeze %dma_start3A_162 : memref<1x256xi32, #tpu.memory_space<hbm>> -> memref<256xi32, #tpu.memory_space<hbm>>
      %dma_start3A_164 = tpu.memref_slice %arg2[%run_scoped3A, %mul3A_2] : memref<1x16384xi32, #tpu.memory_space<hbm>> -> memref<1x256xi32, #tpu.memory_space<hbm>>
      %dma_start3A_165 = tpu.memref_squeeze %dma_start3A_164 : memref<1x256xi32, #tpu.memory_space<hbm>> -> memref<256xi32, #tpu.memory_space<hbm>>
      tpu.enqueue_dma source(%dma_start3A_165 : memref<256xi32, #tpu.memory_space<hbm>>) target(%arg5 : memref<256xi32, #tpu.memory_space<vmem>>) target_semaphore(%run_scoped3A_161 : memref<!tpu.dma_semaphore, #tpu.memory_space<semaphore_mem>>)
      %dma_wait3A_166 = tpu.memref_slice %arg2[%run_scoped3A, %mul3A_2] : memref<1x16384xi32, #tpu.memory_space<hbm>> -> memref<1x256xi32, #tpu.memory_space<hbm>>
      %dma_wait3A_167 = tpu.memref_squeeze %dma_wait3A_166 : memref<1x256xi32, #tpu.memory_space<hbm>> -> memref<256xi32, #tpu.memory_space<hbm>>
      %dma_wait3A_168 = tpu.memref_slice %arg2[%run_scoped3A, %mul3A_2] : memref<1x16384xi32, #tpu.memory_space<hbm>> -> memref<1x256xi32, #tpu.memory_space<hbm>>
      %dma_wait3A_169 = tpu.memref_squeeze %dma_wait3A_168 : memref<1x256xi32, #tpu.memory_space<hbm>> -> memref<256xi32, #tpu.memory_space<hbm>>
      tpu.wait_dma2 semaphore(%run_scoped3A_161 : memref<!tpu.dma_semaphore, #tpu.memory_space<semaphore_mem>>) src(%dma_wait3A_169 : memref<256xi32, #tpu.memory_space<hbm>>) dst(%arg5 : memref<256xi32, #tpu.memory_space<vmem>>)
      tpu.yield
    }) : () -> ()
    %dma_start3A = arith.constant 0 : i32
    %dma_start3A_3 = tpu.memref_slice %arg5[%dma_start3A] : memref<256xi32, #tpu.memory_space<vmem>> -> memref<32xi32, #tpu.memory_space<vmem>>
    %dma_start3A_4 = arith.constant 0 : i32
    %dma_start3A_5 = arith.constant 0 : i32
    %dma_start3A_6 = tpu.memref_slice %arg3[%dma_start3A_4, %dma_start3A_5] : memref<1024x1280xf32, #tpu.memory_space<hbm>> -> memref<1024x1280xf32, #tpu.memory_space<hbm>>
    tpu.enqueue_indirect_dma source(%dma_start3A_6 : memref<1024x1280xf32, #tpu.memory_space<hbm>>) target(%arg6 : memref<32x1280xf32, #tpu.memory_space<vmem>>) offsets(%dma_start3A_3 : memref<32xi32, #tpu.memory_space<vmem>>) semaphore(%arg9 : memref<!tpu.dma_semaphore, #tpu.memory_space<semaphore_mem>>)
    %dma_start3A_7 = arith.constant 32 : i32
    %dma_start3A_8 = tpu.memref_slice %arg5[%dma_start3A_7] : memref<256xi32, #tpu.memory_space<vmem>> -> memref<32xi32, #tpu.memory_space<vmem>>
    %dma_start3A_9 = arith.constant 0 : i32
    %dma_start3A_10 = arith.constant 0 : i32
    %dma_start3A_11 = tpu.memref_slice %arg3[%dma_start3A_9, %dma_start3A_10] : memref<1024x1280xf32, #tpu.memory_space<hbm>> -> memref<1024x1280xf32, #tpu.memory_space<hbm>>
    tpu.enqueue_indirect_dma source(%dma_start3A_11 : memref<1024x1280xf32, #tpu.memory_space<hbm>>) target(%arg7 : memref<32x1280xf32, #tpu.memory_space<vmem>>) offsets(%dma_start3A_8 : memref<32xi32, #tpu.memory_space<vmem>>) semaphore(%arg10 : memref<!tpu.dma_semaphore, #tpu.memory_space<semaphore_mem>>)
    %dma_start3A_12 = arith.constant 64 : i32
    %dma_start3A_13 = tpu.memref_slice %arg5[%dma_start3A_12] : memref<256xi32, #tpu.memory_space<vmem>> -> memref<32xi32, #tpu.memory_space<vmem>>
    %dma_start3A_14 = arith.constant 0 : i32
    %dma_start3A_15 = arith.constant 0 : i32
    %dma_start3A_16 = tpu.memref_slice %arg3[%dma_start3A_14, %dma_start3A_15] : memref<1024x1280xf32, #tpu.memory_space<hbm>> -> memref<1024x1280xf32, #tpu.memory_space<hbm>>
    tpu.enqueue_indirect_dma source(%dma_start3A_16 : memref<1024x1280xf32, #tpu.memory_space<hbm>>) target(%arg8 : memref<32x1280xf32, #tpu.memory_space<vmem>>) offsets(%dma_start3A_13 : memref<32xi32, #tpu.memory_space<vmem>>) semaphore(%arg11 : memref<!tpu.dma_semaphore, #tpu.memory_space<semaphore_mem>>)
    %dma_wait3A = arith.constant 0 : i32
    %dma_wait3A_17 = tpu.memref_slice %arg5[%dma_wait3A] : memref<256xi32, #tpu.memory_space<vmem>> -> memref<32xi32, #tpu.memory_space<vmem>>
    %dma_wait3A_18 = arith.constant 0 : i32
    %dma_wait3A_19 = arith.constant 0 : i32
    %dma_wait3A_20 = tpu.memref_slice %arg3[%dma_wait3A_18, %dma_wait3A_19] : memref<1024x1280xf32, #tpu.memory_space<hbm>> -> memref<1024x1280xf32, #tpu.memory_space<hbm>>
    tpu.wait_indirect_dma semaphore(%arg9 : memref<!tpu.dma_semaphore, #tpu.memory_space<semaphore_mem>>) src(%dma_wait3A_20 : memref<1024x1280xf32, #tpu.memory_space<hbm>>) dst(%arg6 : memref<32x1280xf32, #tpu.memory_space<vmem>>)
    %add3A_21 = arith.constant 0 : i32
    %add3A_22 = arith.addi %mul3A_2, %add3A_21 : i32
    %dma_start3A_23 = arith.constant 0 : i32
    %dma_start3A_24 = tpu.memref_slice %arg4[%add3A_22, %dma_start3A_23] : memref<16384x1280xf32, #tpu.memory_space<hbm>> -> memref<32x1280xf32, #tpu.memory_space<hbm>>
    %dma_start3A_25 = arith.constant 0 : i32
    %dma_start3A_26 = tpu.memref_slice %arg4[%add3A_22, %dma_start3A_25] : memref<16384x1280xf32, #tpu.memory_space<hbm>> -> memref<32x1280xf32, #tpu.memory_space<hbm>>
    tpu.enqueue_dma source(%arg6 : memref<32x1280xf32, #tpu.memory_space<vmem>>) target(%dma_start3A_26 : memref<32x1280xf32, #tpu.memory_space<hbm>>) target_semaphore(%arg12 : memref<!tpu.dma_semaphore, #tpu.memory_space<semaphore_mem>>)
    %dma_wait3A_27 = arith.constant 32 : i32
    %dma_wait3A_28 = tpu.memref_slice %arg5[%dma_wait3A_27] : memref<256xi32, #tpu.memory_space<vmem>> -> memref<32xi32, #tpu.memory_space<vmem>>
    %dma_wait3A_29 = arith.constant 0 : i32
    %dma_wait3A_30 = arith.constant 0 : i32
    %dma_wait3A_31 = tpu.memref_slice %arg3[%dma_wait3A_29, %dma_wait3A_30] : memref<1024x1280xf32, #tpu.memory_space<hbm>> -> memref<1024x1280xf32, #tpu.memory_space<hbm>>
    tpu.wait_indirect_dma semaphore(%arg10 : memref<!tpu.dma_semaphore, #tpu.memory_space<semaphore_mem>>) src(%dma_wait3A_31 : memref<1024x1280xf32, #tpu.memory_space<hbm>>) dst(%arg7 : memref<32x1280xf32, #tpu.memory_space<vmem>>)
    %add3A_32 = arith.constant 32 : i32
    %add3A_33 = arith.addi %mul3A_2, %add3A_32 : i32
    %dma_start3A_34 = arith.constant 0 : i32
    %dma_start3A_35 = tpu.memref_slice %arg4[%add3A_33, %dma_start3A_34] : memref<16384x1280xf32, #tpu.memory_space<hbm>> -> memref<32x1280xf32, #tpu.memory_space<hbm>>
    %dma_start3A_36 = arith.constant 0 : i32
    %dma_start3A_37 = tpu.memref_slice %arg4[%add3A_33, %dma_start3A_36] : memref<16384x1280xf32, #tpu.memory_space<hbm>> -> memref<32x1280xf32, #tpu.memory_space<hbm>>
    tpu.enqueue_dma source(%arg7 : memref<32x1280xf32, #tpu.memory_space<vmem>>) target(%dma_start3A_37 : memref<32x1280xf32, #tpu.memory_space<hbm>>) target_semaphore(%arg13 : memref<!tpu.dma_semaphore, #tpu.memory_space<semaphore_mem>>)
    %dma_wait3A_38 = arith.constant 0 : i32
    %dma_wait3A_39 = tpu.memref_slice %arg4[%add3A_22, %dma_wait3A_38] : memref<16384x1280xf32, #tpu.memory_space<hbm>> -> memref<32x1280xf32, #tpu.memory_space<hbm>>
    %dma_wait3A_40 = arith.constant 0 : i32
    %dma_wait3A_41 = tpu.memref_slice %arg4[%add3A_22, %dma_wait3A_40] : memref<16384x1280xf32, #tpu.memory_space<hbm>> -> memref<32x1280xf32, #tpu.memory_space<hbm>>
    tpu.wait_dma2 semaphore(%arg12 : memref<!tpu.dma_semaphore, #tpu.memory_space<semaphore_mem>>) src(%arg6 : memref<32x1280xf32, #tpu.memory_space<vmem>>) dst(%dma_wait3A_41 : memref<32x1280xf32, #tpu.memory_space<hbm>>)
    %dma_start3A_42 = arith.constant 96 : i32
    %dma_start3A_43 = tpu.memref_slice %arg5[%dma_start3A_42] : memref<256xi32, #tpu.memory_space<vmem>> -> memref<32xi32, #tpu.memory_space<vmem>>
    %dma_start3A_44 = arith.constant 0 : i32
    %dma_start3A_45 = arith.constant 0 : i32
    %dma_start3A_46 = tpu.memref_slice %arg3[%dma_start3A_44, %dma_start3A_45] : memref<1024x1280xf32, #tpu.memory_space<hbm>> -> memref<1024x1280xf32, #tpu.memory_space<hbm>>
    tpu.enqueue_indirect_dma source(%dma_start3A_46 : memref<1024x1280xf32, #tpu.memory_space<hbm>>) target(%arg6 : memref<32x1280xf32, #tpu.memory_space<vmem>>) offsets(%dma_start3A_43 : memref<32xi32, #tpu.memory_space<vmem>>) semaphore(%arg9 : memref<!tpu.dma_semaphore, #tpu.memory_space<semaphore_mem>>)
    %dma_wait3A_47 = arith.constant 64 : i32
    %dma_wait3A_48 = tpu.memref_slice %arg5[%dma_wait3A_47] : memref<256xi32, #tpu.memory_space<vmem>> -> memref<32xi32, #tpu.memory_space<vmem>>
    %dma_wait3A_49 = arith.constant 0 : i32
    %dma_wait3A_50 = arith.constant 0 : i32
    %dma_wait3A_51 = tpu.memref_slice %arg3[%dma_wait3A_49, %dma_wait3A_50] : memref<1024x1280xf32, #tpu.memory_space<hbm>> -> memref<1024x1280xf32, #tpu.memory_space<hbm>>
    tpu.wait_indirect_dma semaphore(%arg11 : memref<!tpu.dma_semaphore, #tpu.memory_space<semaphore_mem>>) src(%dma_wait3A_51 : memref<1024x1280xf32, #tpu.memory_space<hbm>>) dst(%arg8 : memref<32x1280xf32, #tpu.memory_space<vmem>>)
    %add3A_52 = arith.constant 64 : i32
    %add3A_53 = arith.addi %mul3A_2, %add3A_52 : i32
    %dma_start3A_54 = arith.constant 0 : i32
    %dma_start3A_55 = tpu.memref_slice %arg4[%add3A_53, %dma_start3A_54] : memref<16384x1280xf32, #tpu.memory_space<hbm>> -> memref<32x1280xf32, #tpu.memory_space<hbm>>
    %dma_start3A_56 = arith.constant 0 : i32
    %dma_start3A_57 = tpu.memref_slice %arg4[%add3A_53, %dma_start3A_56] : memref<16384x1280xf32, #tpu.memory_space<hbm>> -> memref<32x1280xf32, #tpu.memory_space<hbm>>
    tpu.enqueue_dma source(%arg8 : memref<32x1280xf32, #tpu.memory_space<vmem>>) target(%dma_start3A_57 : memref<32x1280xf32, #tpu.memory_space<hbm>>) target_semaphore(%arg14 : memref<!tpu.dma_semaphore, #tpu.memory_space<semaphore_mem>>)
    %dma_wait3A_58 = arith.constant 0 : i32
    %dma_wait3A_59 = tpu.memref_slice %arg4[%add3A_33, %dma_wait3A_58] : memref<16384x1280xf32, #tpu.memory_space<hbm>> -> memref<32x1280xf32, #tpu.memory_space<hbm>>
    %dma_wait3A_60 = arith.constant 0 : i32
    %dma_wait3A_61 = tpu.memref_slice %arg4[%add3A_33, %dma_wait3A_60] : memref<16384x1280xf32, #tpu.memory_space<hbm>> -> memref<32x1280xf32, #tpu.memory_space<hbm>>
    tpu.wait_dma2 semaphore(%arg13 : memref<!tpu.dma_semaphore, #tpu.memory_space<semaphore_mem>>) src(%arg7 : memref<32x1280xf32, #tpu.memory_space<vmem>>) dst(%dma_wait3A_61 : memref<32x1280xf32, #tpu.memory_space<hbm>>)
    %dma_start3A_62 = arith.constant 128 : i32
    %dma_start3A_63 = tpu.memref_slice %arg5[%dma_start3A_62] : memref<256xi32, #tpu.memory_space<vmem>> -> memref<32xi32, #tpu.memory_space<vmem>>
    %dma_start3A_64 = arith.constant 0 : i32
    %dma_start3A_65 = arith.constant 0 : i32
    %dma_start3A_66 = tpu.memref_slice %arg3[%dma_start3A_64, %dma_start3A_65] : memref<1024x1280xf32, #tpu.memory_space<hbm>> -> memref<1024x1280xf32, #tpu.memory_space<hbm>>
    tpu.enqueue_indirect_dma source(%dma_start3A_66 : memref<1024x1280xf32, #tpu.memory_space<hbm>>) target(%arg7 : memref<32x1280xf32, #tpu.memory_space<vmem>>) offsets(%dma_start3A_63 : memref<32xi32, #tpu.memory_space<vmem>>) semaphore(%arg10 : memref<!tpu.dma_semaphore, #tpu.memory_space<semaphore_mem>>)
    %dma_wait3A_67 = arith.constant 96 : i32
    %dma_wait3A_68 = tpu.memref_slice %arg5[%dma_wait3A_67] : memref<256xi32, #tpu.memory_space<vmem>> -> memref<32xi32, #tpu.memory_space<vmem>>
    %dma_wait3A_69 = arith.constant 0 : i32
    %dma_wait3A_70 = arith.constant 0 : i32
    %dma_wait3A_71 = tpu.memref_slice %arg3[%dma_wait3A_69, %dma_wait3A_70] : memref<1024x1280xf32, #tpu.memory_space<hbm>> -> memref<1024x1280xf32, #tpu.memory_space<hbm>>
    tpu.wait_indirect_dma semaphore(%arg9 : memref<!tpu.dma_semaphore, #tpu.memory_space<semaphore_mem>>) src(%dma_wait3A_71 : memref<1024x1280xf32, #tpu.memory_space<hbm>>) dst(%arg6 : memref<32x1280xf32, #tpu.memory_space<vmem>>)
    %add3A_72 = arith.constant 96 : i32
    %add3A_73 = arith.addi %mul3A_2, %add3A_72 : i32
    %dma_start3A_74 = arith.constant 0 : i32
    %dma_start3A_75 = tpu.memref_slice %arg4[%add3A_73, %dma_start3A_74] : memref<16384x1280xf32, #tpu.memory_space<hbm>> -> memref<32x1280xf32, #tpu.memory_space<hbm>>
    %dma_start3A_76 = arith.constant 0 : i32
    %dma_start3A_77 = tpu.memref_slice %arg4[%add3A_73, %dma_start3A_76] : memref<16384x1280xf32, #tpu.memory_space<hbm>> -> memref<32x1280xf32, #tpu.memory_space<hbm>>
    tpu.enqueue_dma source(%arg6 : memref<32x1280xf32, #tpu.memory_space<vmem>>) target(%dma_start3A_77 : memref<32x1280xf32, #tpu.memory_space<hbm>>) target_semaphore(%arg12 : memref<!tpu.dma_semaphore, #tpu.memory_space<semaphore_mem>>)
    %dma_wait3A_78 = arith.constant 0 : i32
    %dma_wait3A_79 = tpu.memref_slice %arg4[%add3A_53, %dma_wait3A_78] : memref<16384x1280xf32, #tpu.memory_space<hbm>> -> memref<32x1280xf32, #tpu.memory_space<hbm>>
    %dma_wait3A_80 = arith.constant 0 : i32
    %dma_wait3A_81 = tpu.memref_slice %arg4[%add3A_53, %dma_wait3A_80] : memref<16384x1280xf32, #tpu.memory_space<hbm>> -> memref<32x1280xf32, #tpu.memory_space<hbm>>
    tpu.wait_dma2 semaphore(%arg14 : memref<!tpu.dma_semaphore, #tpu.memory_space<semaphore_mem>>) src(%arg8 : memref<32x1280xf32, #tpu.memory_space<vmem>>) dst(%dma_wait3A_81 : memref<32x1280xf32, #tpu.memory_space<hbm>>)
    %dma_start3A_82 = arith.constant 160 : i32
    %dma_start3A_83 = tpu.memref_slice %arg5[%dma_start3A_82] : memref<256xi32, #tpu.memory_space<vmem>> -> memref<32xi32, #tpu.memory_space<vmem>>
    %dma_start3A_84 = arith.constant 0 : i32
    %dma_start3A_85 = arith.constant 0 : i32
    %dma_start3A_86 = tpu.memref_slice %arg3[%dma_start3A_84, %dma_start3A_85] : memref<1024x1280xf32, #tpu.memory_space<hbm>> -> memref<1024x1280xf32, #tpu.memory_space<hbm>>
    tpu.enqueue_indirect_dma source(%dma_start3A_86 : memref<1024x1280xf32, #tpu.memory_space<hbm>>) target(%arg8 : memref<32x1280xf32, #tpu.memory_space<vmem>>) offsets(%dma_start3A_83 : memref<32xi32, #tpu.memory_space<vmem>>) semaphore(%arg11 : memref<!tpu.dma_semaphore, #tpu.memory_space<semaphore_mem>>)
    %dma_wait3A_87 = arith.constant 128 : i32
    %dma_wait3A_88 = tpu.memref_slice %arg5[%dma_wait3A_87] : memref<256xi32, #tpu.memory_space<vmem>> -> memref<32xi32, #tpu.memory_space<vmem>>
    %dma_wait3A_89 = arith.constant 0 : i32
    %dma_wait3A_90 = arith.constant 0 : i32
    %dma_wait3A_91 = tpu.memref_slice %arg3[%dma_wait3A_89, %dma_wait3A_90] : memref<1024x1280xf32, #tpu.memory_space<hbm>> -> memref<1024x1280xf32, #tpu.memory_space<hbm>>
    tpu.wait_indirect_dma semaphore(%arg10 : memref<!tpu.dma_semaphore, #tpu.memory_space<semaphore_mem>>) src(%dma_wait3A_91 : memref<1024x1280xf32, #tpu.memory_space<hbm>>) dst(%arg7 : memref<32x1280xf32, #tpu.memory_space<vmem>>)
    %add3A_92 = arith.constant 128 : i32
    %add3A_93 = arith.addi %mul3A_2, %add3A_92 : i32
    %dma_start3A_94 = arith.constant 0 : i32
    %dma_start3A_95 = tpu.memref_slice %arg4[%add3A_93, %dma_start3A_94] : memref<16384x1280xf32, #tpu.memory_space<hbm>> -> memref<32x1280xf32, #tpu.memory_space<hbm>>
    %dma_start3A_96 = arith.constant 0 : i32
    %dma_start3A_97 = tpu.memref_slice %arg4[%add3A_93, %dma_start3A_96] : memref<16384x1280xf32, #tpu.memory_space<hbm>> -> memref<32x1280xf32, #tpu.memory_space<hbm>>
    tpu.enqueue_dma source(%arg7 : memref<32x1280xf32, #tpu.memory_space<vmem>>) target(%dma_start3A_97 : memref<32x1280xf32, #tpu.memory_space<hbm>>) target_semaphore(%arg13 : memref<!tpu.dma_semaphore, #tpu.memory_space<semaphore_mem>>)
    %dma_wait3A_98 = arith.constant 0 : i32
    %dma_wait3A_99 = tpu.memref_slice %arg4[%add3A_73, %dma_wait3A_98] : memref<16384x1280xf32, #tpu.memory_space<hbm>> -> memref<32x1280xf32, #tpu.memory_space<hbm>>
    %dma_wait3A_100 = arith.constant 0 : i32
    %dma_wait3A_101 = tpu.memref_slice %arg4[%add3A_73, %dma_wait3A_100] : memref<16384x1280xf32, #tpu.memory_space<hbm>> -> memref<32x1280xf32, #tpu.memory_space<hbm>>
    tpu.wait_dma2 semaphore(%arg12 : memref<!tpu.dma_semaphore, #tpu.memory_space<semaphore_mem>>) src(%arg6 : memref<32x1280xf32, #tpu.memory_space<vmem>>) dst(%dma_wait3A_101 : memref<32x1280xf32, #tpu.memory_space<hbm>>)
    %dma_start3A_102 = arith.constant 192 : i32
    %dma_start3A_103 = tpu.memref_slice %arg5[%dma_start3A_102] : memref<256xi32, #tpu.memory_space<vmem>> -> memref<32xi32, #tpu.memory_space<vmem>>
    %dma_start3A_104 = arith.constant 0 : i32
    %dma_start3A_105 = arith.constant 0 : i32
    %dma_start3A_106 = tpu.memref_slice %arg3[%dma_start3A_104, %dma_start3A_105] : memref<1024x1280xf32, #tpu.memory_space<hbm>> -> memref<1024x1280xf32, #tpu.memory_space<hbm>>
    tpu.enqueue_indirect_dma source(%dma_start3A_106 : memref<1024x1280xf32, #tpu.memory_space<hbm>>) target(%arg6 : memref<32x1280xf32, #tpu.memory_space<vmem>>) offsets(%dma_start3A_103 : memref<32xi32, #tpu.memory_space<vmem>>) semaphore(%arg9 : memref<!tpu.dma_semaphore, #tpu.memory_space<semaphore_mem>>)
    %dma_wait3A_107 = arith.constant 160 : i32
    %dma_wait3A_108 = tpu.memref_slice %arg5[%dma_wait3A_107] : memref<256xi32, #tpu.memory_space<vmem>> -> memref<32xi32, #tpu.memory_space<vmem>>
    %dma_wait3A_109 = arith.constant 0 : i32
    %dma_wait3A_110 = arith.constant 0 : i32
    %dma_wait3A_111 = tpu.memref_slice %arg3[%dma_wait3A_109, %dma_wait3A_110] : memref<1024x1280xf32, #tpu.memory_space<hbm>> -> memref<1024x1280xf32, #tpu.memory_space<hbm>>
    tpu.wait_indirect_dma semaphore(%arg11 : memref<!tpu.dma_semaphore, #tpu.memory_space<semaphore_mem>>) src(%dma_wait3A_111 : memref<1024x1280xf32, #tpu.memory_space<hbm>>) dst(%arg8 : memref<32x1280xf32, #tpu.memory_space<vmem>>)
    %add3A_112 = arith.constant 160 : i32
    %add3A_113 = arith.addi %mul3A_2, %add3A_112 : i32
    %dma_start3A_114 = arith.constant 0 : i32
    %dma_start3A_115 = tpu.memref_slice %arg4[%add3A_113, %dma_start3A_114] : memref<16384x1280xf32, #tpu.memory_space<hbm>> -> memref<32x1280xf32, #tpu.memory_space<hbm>>
    %dma_start3A_116 = arith.constant 0 : i32
    %dma_start3A_117 = tpu.memref_slice %arg4[%add3A_113, %dma_start3A_116] : memref<16384x1280xf32, #tpu.memory_space<hbm>> -> memref<32x1280xf32, #tpu.memory_space<hbm>>
    tpu.enqueue_dma source(%arg8 : memref<32x1280xf32, #tpu.memory_space<vmem>>) target(%dma_start3A_117 : memref<32x1280xf32, #tpu.memory_space<hbm>>) target_semaphore(%arg14 : memref<!tpu.dma_semaphore, #tpu.memory_space<semaphore_mem>>)
    %dma_wait3A_118 = arith.constant 0 : i32
    %dma_wait3A_119 = tpu.memref_slice %arg4[%add3A_93, %dma_wait3A_118] : memref<16384x1280xf32, #tpu.memory_space<hbm>> -> memref<32x1280xf32, #tpu.memory_space<hbm>>
    %dma_wait3A_120 = arith.constant 0 : i32
    %dma_wait3A_121 = tpu.memref_slice %arg4[%add3A_93, %dma_wait3A_120] : memref<16384x1280xf32, #tpu.memory_space<hbm>> -> memref<32x1280xf32, #tpu.memory_space<hbm>>
    tpu.wait_dma2 semaphore(%arg13 : memref<!tpu.dma_semaphore, #tpu.memory_space<semaphore_mem>>) src(%arg7 : memref<32x1280xf32, #tpu.memory_space<vmem>>) dst(%dma_wait3A_121 : memref<32x1280xf32, #tpu.memory_space<hbm>>)
    %dma_start3A_122 = arith.constant 224 : i32
    %dma_start3A_123 = tpu.memref_slice %arg5[%dma_start3A_122] : memref<256xi32, #tpu.memory_space<vmem>> -> memref<32xi32, #tpu.memory_space<vmem>>
    %dma_start3A_124 = arith.constant 0 : i32
    %dma_start3A_125 = arith.constant 0 : i32
    %dma_start3A_126 = tpu.memref_slice %arg3[%dma_start3A_124, %dma_start3A_125] : memref<1024x1280xf32, #tpu.memory_space<hbm>> -> memref<1024x1280xf32, #tpu.memory_space<hbm>>
    tpu.enqueue_indirect_dma source(%dma_start3A_126 : memref<1024x1280xf32, #tpu.memory_space<hbm>>) target(%arg7 : memref<32x1280xf32, #tpu.memory_space<vmem>>) offsets(%dma_start3A_123 : memref<32xi32, #tpu.memory_space<vmem>>) semaphore(%arg10 : memref<!tpu.dma_semaphore, #tpu.memory_space<semaphore_mem>>)
    %dma_wait3A_127 = arith.constant 192 : i32
    %dma_wait3A_128 = tpu.memref_slice %arg5[%dma_wait3A_127] : memref<256xi32, #tpu.memory_space<vmem>> -> memref<32xi32, #tpu.memory_space<vmem>>
    %dma_wait3A_129 = arith.constant 0 : i32
    %dma_wait3A_130 = arith.constant 0 : i32
    %dma_wait3A_131 = tpu.memref_slice %arg3[%dma_wait3A_129, %dma_wait3A_130] : memref<1024x1280xf32, #tpu.memory_space<hbm>> -> memref<1024x1280xf32, #tpu.memory_space<hbm>>
    tpu.wait_indirect_dma semaphore(%arg9 : memref<!tpu.dma_semaphore, #tpu.memory_space<semaphore_mem>>) src(%dma_wait3A_131 : memref<1024x1280xf32, #tpu.memory_space<hbm>>) dst(%arg6 : memref<32x1280xf32, #tpu.memory_space<vmem>>)
    %add3A_132 = arith.constant 192 : i32
    %add3A_133 = arith.addi %mul3A_2, %add3A_132 : i32
    %dma_start3A_134 = arith.constant 0 : i32
    %dma_start3A_135 = tpu.memref_slice %arg4[%add3A_133, %dma_start3A_134] : memref<16384x1280xf32, #tpu.memory_space<hbm>> -> memref<32x1280xf32, #tpu.memory_space<hbm>>
    %dma_start3A_136 = arith.constant 0 : i32
    %dma_start3A_137 = tpu.memref_slice %arg4[%add3A_133, %dma_start3A_136] : memref<16384x1280xf32, #tpu.memory_space<hbm>> -> memref<32x1280xf32, #tpu.memory_space<hbm>>
    tpu.enqueue_dma source(%arg6 : memref<32x1280xf32, #tpu.memory_space<vmem>>) target(%dma_start3A_137 : memref<32x1280xf32, #tpu.memory_space<hbm>>) target_semaphore(%arg12 : memref<!tpu.dma_semaphore, #tpu.memory_space<semaphore_mem>>)
    %dma_wait3A_138 = arith.constant 224 : i32
    %dma_wait3A_139 = tpu.memref_slice %arg5[%dma_wait3A_138] : memref<256xi32, #tpu.memory_space<vmem>> -> memref<32xi32, #tpu.memory_space<vmem>>
    %dma_wait3A_140 = arith.constant 0 : i32
    %dma_wait3A_141 = arith.constant 0 : i32
    %dma_wait3A_142 = tpu.memref_slice %arg3[%dma_wait3A_140, %dma_wait3A_141] : memref<1024x1280xf32, #tpu.memory_space<hbm>> -> memref<1024x1280xf32, #tpu.memory_space<hbm>>
    tpu.wait_indirect_dma semaphore(%arg10 : memref<!tpu.dma_semaphore, #tpu.memory_space<semaphore_mem>>) src(%dma_wait3A_142 : memref<1024x1280xf32, #tpu.memory_space<hbm>>) dst(%arg7 : memref<32x1280xf32, #tpu.memory_space<vmem>>)
    %add3A_143 = arith.constant 224 : i32
    %add3A_144 = arith.addi %mul3A_2, %add3A_143 : i32
    %dma_start3A_145 = arith.constant 0 : i32
    %dma_start3A_146 = tpu.memref_slice %arg4[%add3A_144, %dma_start3A_145] : memref<16384x1280xf32, #tpu.memory_space<hbm>> -> memref<32x1280xf32, #tpu.memory_space<hbm>>
    %dma_start3A_147 = arith.constant 0 : i32
    %dma_start3A_148 = tpu.memref_slice %arg4[%add3A_144, %dma_start3A_147] : memref<16384x1280xf32, #tpu.memory_space<hbm>> -> memref<32x1280xf32, #tpu.memory_space<hbm>>
    tpu.enqueue_dma source(%arg7 : memref<32x1280xf32, #tpu.memory_space<vmem>>) target(%dma_start3A_148 : memref<32x1280xf32, #tpu.memory_space<hbm>>) target_semaphore(%arg13 : memref<!tpu.dma_semaphore, #tpu.memory_space<semaphore_mem>>)
    %dma_wait3A_149 = arith.constant 0 : i32
    %dma_wait3A_150 = tpu.memref_slice %arg4[%add3A_113, %dma_wait3A_149] : memref<16384x1280xf32, #tpu.memory_space<hbm>> -> memref<32x1280xf32, #tpu.memory_space<hbm>>
    %dma_wait3A_151 = arith.constant 0 : i32
    %dma_wait3A_152 = tpu.memref_slice %arg4[%add3A_113, %dma_wait3A_151] : memref<16384x1280xf32, #tpu.memory_space<hbm>> -> memref<32x1280xf32, #tpu.memory_space<hbm>>
    tpu.wait_dma2 semaphore(%arg14 : memref<!tpu.dma_semaphore, #tpu.memory_space<semaphore_mem>>) src(%arg8 : memref<32x1280xf32, #tpu.memory_space<vmem>>) dst(%dma_wait3A_152 : memref<32x1280xf32, #tpu.memory_space<hbm>>)
    %dma_wait3A_153 = arith.constant 0 : i32
    %dma_wait3A_154 = tpu.memref_slice %arg4[%add3A_133, %dma_wait3A_153] : memref<16384x1280xf32, #tpu.memory_space<hbm>> -> memref<32x1280xf32, #tpu.memory_space<hbm>>
    %dma_wait3A_155 = arith.constant 0 : i32
    %dma_wait3A_156 = tpu.memref_slice %arg4[%add3A_133, %dma_wait3A_155] : memref<16384x1280xf32, #tpu.memory_space<hbm>> -> memref<32x1280xf32, #tpu.memory_space<hbm>>
    tpu.wait_dma2 semaphore(%arg12 : memref<!tpu.dma_semaphore, #tpu.memory_space<semaphore_mem>>) src(%arg6 : memref<32x1280xf32, #tpu.memory_space<vmem>>) dst(%dma_wait3A_156 : memref<32x1280xf32, #tpu.memory_space<hbm>>)
    %dma_wait3A_157 = arith.constant 0 : i32
    %dma_wait3A_158 = tpu.memref_slice %arg4[%add3A_144, %dma_wait3A_157] : memref<16384x1280xf32, #tpu.memory_space<hbm>> -> memref<32x1280xf32, #tpu.memory_space<hbm>>
    %dma_wait3A_159 = arith.constant 0 : i32
    %dma_wait3A_160 = tpu.memref_slice %arg4[%add3A_144, %dma_wait3A_159] : memref<16384x1280xf32, #tpu.memory_space<hbm>> -> memref<32x1280xf32, #tpu.memory_space<hbm>>
    tpu.wait_dma2 semaphore(%arg13 : memref<!tpu.dma_semaphore, #tpu.memory_space<semaphore_mem>>) src(%arg7 : memref<32x1280xf32, #tpu.memory_space<vmem>>) dst(%dma_wait3A_160 : memref<32x1280xf32, #tpu.memory_space<hbm>>)
    return
  }
}

module attributes {stable_mosaic.version = 14 : i64} {
  func.func @_fill_body(%arg0: i32, %arg1: memref<16384x1280xf32, #tpu.memory_space<any>>, %arg2: memref<1x512xi32, #tpu.memory_space<vmem>>, %arg3: memref<1x512xf32, #tpu.memory_space<vmem>>, %arg4: memref<64x1280xf32, #tpu.memory_space<vmem>>, %arg5: memref<512x1280xf32, #tpu.memory_space<vmem>>) attributes {dimension_semantics = [#tpu.dimension_semantics<arbitrary>], iteration_bounds = array<i64: 16>, scalar_prefetch = 0 : i64, scratch_operands = 0 : i64, tpu.core_type = #tpu.core_type<tc>, window_params = [{}, {transform_indices = @transform_1, window_bounds = array<i64: 1, 512>}, {transform_indices = @transform_2, window_bounds = array<i64: 1, 512>}, {pipeline_mode = #tpu.pipeline_mode<synchronous>, transform_indices = @transform_3, window_bounds = array<i64: 64, 1280>}, {transform_indices = @transform_4, window_bounds = array<i64: 512, 1280>}]} {
    %get3A = arith.constant 0 : index
    %get3A_0 = arith.constant 0 : index
    %get3A_1 = vector.load %arg2[%get3A, %get3A_0] : memref<1x512xi32, #tpu.memory_space<vmem>>, vector<1x512xi32>
    %reshape3A = vector.shape_cast %get3A_1 : vector<1x512xi32> to vector<512x1xi32>
    %get3A_2 = arith.constant 0 : index
    %get3A_3 = arith.constant 0 : index
    %get3A_4 = vector.load %arg3[%get3A_2, %get3A_3] : memref<1x512xf32, #tpu.memory_space<vmem>>, vector<1x512xf32>
    %reshape3A_5 = vector.shape_cast %get3A_4 : vector<1x512xf32> to vector<512x1xf32>
    %iota3A = tpu.iota {dimensions = array<i32: 1>} : vector<512x64xi32>
    %eq3A = vector.broadcast %reshape3A : vector<512x1xi32> to vector<512x64xi32>
    %eq3A_6 = arith.cmpi eq, %eq3A, %iota3A : vector<512x64xi32>
    %jit3A = arith.constant 0.000000e+00 : f32
    %broadcast_in_dim3A = vector.shape_cast %reshape3A_5 : vector<512x1xf32> to vector<512x1xf32>
    %broadcast_in_dim3A_7 = vector.broadcast %broadcast_in_dim3A : vector<512x1xf32> to vector<512x64xf32>
    %broadcast_in_dim3A_8 = vector.broadcast %jit3A : f32 to vector<512x64xf32>
    %select_n3A = arith.select %eq3A_6, %broadcast_in_dim3A_7, %broadcast_in_dim3A_8 : vector<512x64xi1>, vector<512x64xf32>
    %get3A_9 = arith.constant 0 : index
    %get3A_10 = arith.constant 0 : index
    %get3A_11 = vector.load %arg4[%get3A_9, %get3A_10] : memref<64x1280xf32, #tpu.memory_space<vmem>>, vector<64x1280xf32>
    %iota3A_12 = tpu.iota {dimensions = array<i32: 0>} : vector<64x1280xi32>
    %eq3A_13 = arith.constant 32 : i32
    %eq3A_14 = vector.broadcast %eq3A_13 : i32 to vector<64x1280xi32>
    %eq3A_15 = arith.cmpi eq, %iota3A_12, %eq3A_14 : vector<64x1280xi32>
    %jit3A_16 = arith.constant 0.000000e+00 : f32
    %broadcast_in_dim3A_17 = vector.broadcast %jit3A_16 : f32 to vector<64x1280xf32>
    %select_n3A_18 = arith.select %eq3A_15, %broadcast_in_dim3A_17, %get3A_11 : vector<64x1280xi1>, vector<64x1280xf32>
    %dot_general3A = arith.constant dense<0.000000e+00> : vector<512x1280xf32>
    %dot_general3A_19 = tpu.matmul %select_n3A, %select_n3A_18, %dot_general3A {dimension_numbers = #tpu.dot_dimension_numbers<[1], [0], [0], [1], [0, 0, 1, 1], [], []>, transpose_lhs_hint = false} : vector<512x64xf32>, vector<64x1280xf32>, vector<512x1280xf32> -> vector<512x1280xf32>
    %swap3A = arith.constant 0 : index
    %swap3A_20 = arith.constant 0 : index
    %swap3A_21 = vector.load %arg5[%swap3A, %swap3A_20] : memref<512x1280xf32, #tpu.memory_space<vmem>>, vector<512x1280xf32>
    tpu.vector_store %arg5[%swap3A, %swap3A_20], %dot_general3A_19 {strides = array<i32>} : memref<512x1280xf32, #tpu.memory_space<vmem>>, vector<512x1280xf32>,
    return
  }
  func.func @transform_1(%arg0: i32) -> (i32, i32) {
    %add3A = arith.constant 16 : i32
    %add3A_0 = arith.addi %add3A, %arg0 : i32
    %c0_i32 = arith.constant 0 : i32
    %c0_i32_1 = arith.constant 0 : i32
    return %c0_i32, %add3A_0 : i32, i32
  }
  func.func @transform_2(%arg0: i32) -> (i32, i32) {
    %add3A = arith.constant 16 : i32
    %add3A_0 = arith.addi %add3A, %arg0 : i32
    %c0_i32 = arith.constant 0 : i32
    %c0_i32_1 = arith.constant 0 : i32
    return %c0_i32, %add3A_0 : i32, i32
  }
  func.func @transform_3(%arg0: i32) -> (i32, i32) {
    %c0_i32 = arith.constant 0 : i32
    %c0_i32_0 = arith.constant 0 : i32
    %c0_i32_1 = arith.constant 0 : i32
    return %c0_i32, %c0_i32_0 : i32, i32
  }
  func.func @transform_4(%arg0: i32) -> (i32, i32) {
    %add3A = arith.constant 16 : i32
    %add3A_0 = arith.addi %add3A, %arg0 : i32
    %c0_i32 = arith.constant 0 : i32
    %c0_i32_1 = arith.constant 0 : i32
    return %add3A_0, %c0_i32 : i32, i32
  }
}

module attributes {stable_mosaic.version = 14 : i64} {
  func.func @_prep_body(%arg0: memref<17xi32, #tpu.memory_space<smem>>, %arg1: memref<1x16384xi32, #tpu.memory_space<vmem>>, %arg2: memref<64x1280xf32, #tpu.memory_space<vmem>>, %arg3: memref<1024x1280xf32, #tpu.memory_space<vmem>>, %arg4: memref<1x16384xi32, #tpu.memory_space<vmem>>, %arg5: memref<1x16384xf32, #tpu.memory_space<vmem>>) attributes {dimension_semantics = [], scalar_prefetch = 0 : i64, scratch_operands = 0 : i64, tpu.core_type = #tpu.core_type<tc>} {
    %get3A = arith.constant 0 : index
    %get3A_0 = arith.constant 0 : index
    %get3A_1 = vector.load %arg1[%get3A, %get3A_0] : memref<1x16384xi32, #tpu.memory_space<vmem>>, vector<1x16384xi32>
    %iota3A = tpu.iota {dimensions = array<i32: 1>} : vector<1x16384xi32>
    %broadcast_in_dim3A = arith.constant 0 : i32
    %broadcast_in_dim3A_2 = vector.broadcast %broadcast_in_dim3A : i32 to vector<1x16384xi32>
    %get3A_3 = arith.constant 1 : index
    %get3A_4 = memref.load %arg0[%get3A_3] : memref<17xi32, #tpu.memory_space<smem>>
    %ge3A = vector.broadcast %get3A_4 : i32 to vector<1x16384xi32>
    %ge3A_5 = arith.cmpi sge, %iota3A, %ge3A : vector<1x16384xi32>
    %jit3A = arith.constant 1 : i32
    %jit3A_6 = arith.constant 0 : i32
    %broadcast_in_dim3A_7 = vector.broadcast %jit3A : i32 to vector<1x16384xi32>
    %broadcast_in_dim3A_8 = vector.broadcast %jit3A_6 : i32 to vector<1x16384xi32>
    %select_n3A = arith.select %ge3A_5, %broadcast_in_dim3A_7, %broadcast_in_dim3A_8 : vector<1x16384xi1>, vector<1x16384xi32>
    %add3A = arith.addi %broadcast_in_dim3A_2, %select_n3A : vector<1x16384xi32>
    %get3A_9 = arith.constant 2 : index
    %get3A_10 = memref.load %arg0[%get3A_9] : memref<17xi32, #tpu.memory_space<smem>>
    %ge3A_11 = vector.broadcast %get3A_10 : i32 to vector<1x16384xi32>
    %ge3A_12 = arith.cmpi sge, %iota3A, %ge3A_11 : vector<1x16384xi32>
    %jit3A_13 = arith.constant 1 : i32
    %jit3A_14 = arith.constant 0 : i32
    %broadcast_in_dim3A_15 = vector.broadcast %jit3A_13 : i32 to vector<1x16384xi32>
    %broadcast_in_dim3A_16 = vector.broadcast %jit3A_14 : i32 to vector<1x16384xi32>
    %select_n3A_17 = arith.select %ge3A_12, %broadcast_in_dim3A_15, %broadcast_in_dim3A_16 : vector<1x16384xi1>, vector<1x16384xi32>
    %add3A_18 = arith.addi %add3A, %select_n3A_17 : vector<1x16384xi32>
    %get3A_19 = arith.constant 3 : index
    %get3A_20 = memref.load %arg0[%get3A_19] : memref<17xi32, #tpu.memory_space<smem>>
    %ge3A_21 = vector.broadcast %get3A_20 : i32 to vector<1x16384xi32>
    %ge3A_22 = arith.cmpi sge, %iota3A, %ge3A_21 : vector<1x16384xi32>
    %jit3A_23 = arith.constant 1 : i32
    %jit3A_24 = arith.constant 0 : i32
    %broadcast_in_dim3A_25 = vector.broadcast %jit3A_23 : i32 to vector<1x16384xi32>
    %broadcast_in_dim3A_26 = vector.broadcast %jit3A_24 : i32 to vector<1x16384xi32>
    %select_n3A_27 = arith.select %ge3A_22, %broadcast_in_dim3A_25, %broadcast_in_dim3A_26 : vector<1x16384xi1>, vector<1x16384xi32>
    %add3A_28 = arith.addi %add3A_18, %select_n3A_27 : vector<1x16384xi32>
    %get3A_29 = arith.constant 4 : index
    %get3A_30 = memref.load %arg0[%get3A_29] : memref<17xi32, #tpu.memory_space<smem>>
    %ge3A_31 = vector.broadcast %get3A_30 : i32 to vector<1x16384xi32>
    %ge3A_32 = arith.cmpi sge, %iota3A, %ge3A_31 : vector<1x16384xi32>
    %jit3A_33 = arith.constant 1 : i32
    %jit3A_34 = arith.constant 0 : i32
    %broadcast_in_dim3A_35 = vector.broadcast %jit3A_33 : i32 to vector<1x16384xi32>
    %broadcast_in_dim3A_36 = vector.broadcast %jit3A_34 : i32 to vector<1x16384xi32>
    %select_n3A_37 = arith.select %ge3A_32, %broadcast_in_dim3A_35, %broadcast_in_dim3A_36 : vector<1x16384xi1>, vector<1x16384xi32>
    %add3A_38 = arith.addi %add3A_28, %select_n3A_37 : vector<1x16384xi32>
    %get3A_39 = arith.constant 5 : index
    %get3A_40 = memref.load %arg0[%get3A_39] : memref<17xi32, #tpu.memory_space<smem>>
    %ge3A_41 = vector.broadcast %get3A_40 : i32 to vector<1x16384xi32>
    %ge3A_42 = arith.cmpi sge, %iota3A, %ge3A_41 : vector<1x16384xi32>
    %jit3A_43 = arith.constant 1 : i32
    %jit3A_44 = arith.constant 0 : i32
    %broadcast_in_dim3A_45 = vector.broadcast %jit3A_43 : i32 to vector<1x16384xi32>
    %broadcast_in_dim3A_46 = vector.broadcast %jit3A_44 : i32 to vector<1x16384xi32>
    %select_n3A_47 = arith.select %ge3A_42, %broadcast_in_dim3A_45, %broadcast_in_dim3A_46 : vector<1x16384xi1>, vector<1x16384xi32>
    %add3A_48 = arith.addi %add3A_38, %select_n3A_47 : vector<1x16384xi32>
    %get3A_49 = arith.constant 6 : index
    %get3A_50 = memref.load %arg0[%get3A_49] : memref<17xi32, #tpu.memory_space<smem>>
    %ge3A_51 = vector.broadcast %get3A_50 : i32 to vector<1x16384xi32>
    %ge3A_52 = arith.cmpi sge, %iota3A, %ge3A_51 : vector<1x16384xi32>
    %jit3A_53 = arith.constant 1 : i32
    %jit3A_54 = arith.constant 0 : i32
    %broadcast_in_dim3A_55 = vector.broadcast %jit3A_53 : i32 to vector<1x16384xi32>
    %broadcast_in_dim3A_56 = vector.broadcast %jit3A_54 : i32 to vector<1x16384xi32>
    %select_n3A_57 = arith.select %ge3A_52, %broadcast_in_dim3A_55, %broadcast_in_dim3A_56 : vector<1x16384xi1>, vector<1x16384xi32>
    %add3A_58 = arith.addi %add3A_48, %select_n3A_57 : vector<1x16384xi32>
    %get3A_59 = arith.constant 7 : index
    %get3A_60 = memref.load %arg0[%get3A_59] : memref<17xi32, #tpu.memory_space<smem>>
    %ge3A_61 = vector.broadcast %get3A_60 : i32 to vector<1x16384xi32>
    %ge3A_62 = arith.cmpi sge, %iota3A, %ge3A_61 : vector<1x16384xi32>
    %jit3A_63 = arith.constant 1 : i32
    %jit3A_64 = arith.constant 0 : i32
    %broadcast_in_dim3A_65 = vector.broadcast %jit3A_63 : i32 to vector<1x16384xi32>
    %broadcast_in_dim3A_66 = vector.broadcast %jit3A_64 : i32 to vector<1x16384xi32>
    %select_n3A_67 = arith.select %ge3A_62, %broadcast_in_dim3A_65, %broadcast_in_dim3A_66 : vector<1x16384xi1>, vector<1x16384xi32>
    %add3A_68 = arith.addi %add3A_58, %select_n3A_67 : vector<1x16384xi32>
    %get3A_69 = arith.constant 8 : index
    %get3A_70 = memref.load %arg0[%get3A_69] : memref<17xi32, #tpu.memory_space<smem>>
    %ge3A_71 = vector.broadcast %get3A_70 : i32 to vector<1x16384xi32>
    %ge3A_72 = arith.cmpi sge, %iota3A, %ge3A_71 : vector<1x16384xi32>
    %jit3A_73 = arith.constant 1 : i32
    %jit3A_74 = arith.constant 0 : i32
    %broadcast_in_dim3A_75 = vector.broadcast %jit3A_73 : i32 to vector<1x16384xi32>
    %broadcast_in_dim3A_76 = vector.broadcast %jit3A_74 : i32 to vector<1x16384xi32>
    %select_n3A_77 = arith.select %ge3A_72, %broadcast_in_dim3A_75, %broadcast_in_dim3A_76 : vector<1x16384xi1>, vector<1x16384xi32>
    %add3A_78 = arith.addi %add3A_68, %select_n3A_77 : vector<1x16384xi32>
    %get3A_79 = arith.constant 9 : index
    %get3A_80 = memref.load %arg0[%get3A_79] : memref<17xi32, #tpu.memory_space<smem>>
    %ge3A_81 = vector.broadcast %get3A_80 : i32 to vector<1x16384xi32>
    %ge3A_82 = arith.cmpi sge, %iota3A, %ge3A_81 : vector<1x16384xi32>
    %jit3A_83 = arith.constant 1 : i32
    %jit3A_84 = arith.constant 0 : i32
    %broadcast_in_dim3A_85 = vector.broadcast %jit3A_83 : i32 to vector<1x16384xi32>
    %broadcast_in_dim3A_86 = vector.broadcast %jit3A_84 : i32 to vector<1x16384xi32>
    %select_n3A_87 = arith.select %ge3A_82, %broadcast_in_dim3A_85, %broadcast_in_dim3A_86 : vector<1x16384xi1>, vector<1x16384xi32>
    %add3A_88 = arith.addi %add3A_78, %select_n3A_87 : vector<1x16384xi32>
    %get3A_89 = arith.constant 10 : index
    %get3A_90 = memref.load %arg0[%get3A_89] : memref<17xi32, #tpu.memory_space<smem>>
    %ge3A_91 = vector.broadcast %get3A_90 : i32 to vector<1x16384xi32>
    %ge3A_92 = arith.cmpi sge, %iota3A, %ge3A_91 : vector<1x16384xi32>
    %jit3A_93 = arith.constant 1 : i32
    %jit3A_94 = arith.constant 0 : i32
    %broadcast_in_dim3A_95 = vector.broadcast %jit3A_93 : i32 to vector<1x16384xi32>
    %broadcast_in_dim3A_96 = vector.broadcast %jit3A_94 : i32 to vector<1x16384xi32>
    %select_n3A_97 = arith.select %ge3A_92, %broadcast_in_dim3A_95, %broadcast_in_dim3A_96 : vector<1x16384xi1>, vector<1x16384xi32>
    %add3A_98 = arith.addi %add3A_88, %select_n3A_97 : vector<1x16384xi32>
    %get3A_99 = arith.constant 11 : index
    %get3A_100 = memref.load %arg0[%get3A_99] : memref<17xi32, #tpu.memory_space<smem>>
    %ge3A_101 = vector.broadcast %get3A_100 : i32 to vector<1x16384xi32>
    %ge3A_102 = arith.cmpi sge, %iota3A, %ge3A_101 : vector<1x16384xi32>
    %jit3A_103 = arith.constant 1 : i32
    %jit3A_104 = arith.constant 0 : i32
    %broadcast_in_dim3A_105 = vector.broadcast %jit3A_103 : i32 to vector<1x16384xi32>
    %broadcast_in_dim3A_106 = vector.broadcast %jit3A_104 : i32 to vector<1x16384xi32>
    %select_n3A_107 = arith.select %ge3A_102, %broadcast_in_dim3A_105, %broadcast_in_dim3A_106 : vector<1x16384xi1>, vector<1x16384xi32>
    %add3A_108 = arith.addi %add3A_98, %select_n3A_107 : vector<1x16384xi32>
    %get3A_109 = arith.constant 12 : index
    %get3A_110 = memref.load %arg0[%get3A_109] : memref<17xi32, #tpu.memory_space<smem>>
    %ge3A_111 = vector.broadcast %get3A_110 : i32 to vector<1x16384xi32>
    %ge3A_112 = arith.cmpi sge, %iota3A, %ge3A_111 : vector<1x16384xi32>
    %jit3A_113 = arith.constant 1 : i32
    %jit3A_114 = arith.constant 0 : i32
    %broadcast_in_dim3A_115 = vector.broadcast %jit3A_113 : i32 to vector<1x16384xi32>
    %broadcast_in_dim3A_116 = vector.broadcast %jit3A_114 : i32 to vector<1x16384xi32>
    %select_n3A_117 = arith.select %ge3A_112, %broadcast_in_dim3A_115, %broadcast_in_dim3A_116 : vector<1x16384xi1>, vector<1x16384xi32>
    %add3A_118 = arith.addi %add3A_108, %select_n3A_117 : vector<1x16384xi32>
    %get3A_119 = arith.constant 13 : index
    %get3A_120 = memref.load %arg0[%get3A_119] : memref<17xi32, #tpu.memory_space<smem>>
    %ge3A_121 = vector.broadcast %get3A_120 : i32 to vector<1x16384xi32>
    %ge3A_122 = arith.cmpi sge, %iota3A, %ge3A_121 : vector<1x16384xi32>
    %jit3A_123 = arith.constant 1 : i32
    %jit3A_124 = arith.constant 0 : i32
    %broadcast_in_dim3A_125 = vector.broadcast %jit3A_123 : i32 to vector<1x16384xi32>
    %broadcast_in_dim3A_126 = vector.broadcast %jit3A_124 : i32 to vector<1x16384xi32>
    %select_n3A_127 = arith.select %ge3A_122, %broadcast_in_dim3A_125, %broadcast_in_dim3A_126 : vector<1x16384xi1>, vector<1x16384xi32>
    %add3A_128 = arith.addi %add3A_118, %select_n3A_127 : vector<1x16384xi32>
    %get3A_129 = arith.constant 14 : index
    %get3A_130 = memref.load %arg0[%get3A_129] : memref<17xi32, #tpu.memory_space<smem>>
    %ge3A_131 = vector.broadcast %get3A_130 : i32 to vector<1x16384xi32>
    %ge3A_132 = arith.cmpi sge, %iota3A, %ge3A_131 : vector<1x16384xi32>
    %jit3A_133 = arith.constant 1 : i32
    %jit3A_134 = arith.constant 0 : i32
    %broadcast_in_dim3A_135 = vector.broadcast %jit3A_133 : i32 to vector<1x16384xi32>
    %broadcast_in_dim3A_136 = vector.broadcast %jit3A_134 : i32 to vector<1x16384xi32>
    %select_n3A_137 = arith.select %ge3A_132, %broadcast_in_dim3A_135, %broadcast_in_dim3A_136 : vector<1x16384xi1>, vector<1x16384xi32>
    %add3A_138 = arith.addi %add3A_128, %select_n3A_137 : vector<1x16384xi32>
    %get3A_139 = arith.constant 15 : index
    %get3A_140 = memref.load %arg0[%get3A_139] : memref<17xi32, #tpu.memory_space<smem>>
    %ge3A_141 = vector.broadcast %get3A_140 : i32 to vector<1x16384xi32>
    %ge3A_142 = arith.cmpi sge, %iota3A, %ge3A_141 : vector<1x16384xi32>
    %jit3A_143 = arith.constant 1 : i32
    %jit3A_144 = arith.constant 0 : i32
    %broadcast_in_dim3A_145 = vector.broadcast %jit3A_143 : i32 to vector<1x16384xi32>
    %broadcast_in_dim3A_146 = vector.broadcast %jit3A_144 : i32 to vector<1x16384xi32>
    %select_n3A_147 = arith.select %ge3A_142, %broadcast_in_dim3A_145, %broadcast_in_dim3A_146 : vector<1x16384xi1>, vector<1x16384xi32>
    %add3A_148 = arith.addi %add3A_138, %select_n3A_147 : vector<1x16384xi32>
    %mul3A = arith.constant 64 : i32
    %mul3A_149 = vector.broadcast %mul3A : i32 to vector<1x16384xi32>
    %mul3A_150 = arith.muli %add3A_148, %mul3A_149 : vector<1x16384xi32>
    %add3A_151 = arith.addi %mul3A_150, %get3A_1 : vector<1x16384xi32>
    %swap3A = arith.constant 0 : index
    %swap3A_152 = arith.constant 0 : index
    %swap3A_153 = vector.load %arg4[%swap3A, %swap3A_152] : memref<1x16384xi32, #tpu.memory_space<vmem>>, vector<1x16384xi32>
    tpu.vector_store %arg4[%swap3A, %swap3A_152], %add3A_151 {strides = array<i32>} : memref<1x16384xi32, #tpu.memory_space<vmem>>, vector<1x16384xi32>,
    %eq3A = arith.constant 32 : i32
    %eq3A_154 = vector.broadcast %eq3A : i32 to vector<1x16384xi32>
    %eq3A_155 = arith.cmpi eq, %get3A_1, %eq3A_154 : vector<1x16384xi32>
    %jit3A_156 = arith.constant 1.000000e+00 : f32
    %jit3A_157 = arith.constant 0.000000e+00 : f32
    %broadcast_in_dim3A_158 = vector.broadcast %jit3A_156 : f32 to vector<1x16384xf32>
    %broadcast_in_dim3A_159 = vector.broadcast %jit3A_157 : f32 to vector<1x16384xf32>
    %select_n3A_160 = arith.select %eq3A_155, %broadcast_in_dim3A_158, %broadcast_in_dim3A_159 : vector<1x16384xi1>, vector<1x16384xf32>
    %get3A_161 = arith.constant 0 : index
    %get3A_162 = arith.constant 0 : index
    %get3A_163 = vector.load %arg2[%get3A_161, %get3A_162] : memref<64x1280xf32, #tpu.memory_space<vmem>>, vector<64x1280xf32>
    %iota3A_164 = tpu.iota {dimensions = array<i32: 0>} : vector<64x1280xi32>
    %eq3A_165 = arith.constant 32 : i32
    %eq3A_166 = vector.broadcast %eq3A_165 : i32 to vector<64x1280xi32>
    %eq3A_167 = arith.cmpi eq, %iota3A_164, %eq3A_166 : vector<64x1280xi32>
    %jit3A_168 = arith.constant 0.000000e+00 : f32
    %broadcast_in_dim3A_169 = vector.broadcast %jit3A_168 : f32 to vector<64x1280xf32>
    %select_n3A_170 = arith.select %eq3A_167, %broadcast_in_dim3A_169, %get3A_163 : vector<64x1280xi1>, vector<64x1280xf32>
    %broadcast_in_dim3A_171 = arith.constant 0.000000e+00 : f32
    %broadcast_in_dim3A_172 = vector.broadcast %broadcast_in_dim3A_171 : f32 to vector<1x16384xf32>
    %eq3A_173 = arith.constant 0 : i32
    %eq3A_174 = vector.broadcast %eq3A_173 : i32 to vector<1x16384xi32>
    %eq3A_175 = arith.cmpi eq, %add3A_148, %eq3A_174 : vector<1x16384xi32>
    %jit3A_176 = arith.constant 0.000000e+00 : f32
    %broadcast_in_dim3A_177 = vector.broadcast %jit3A_176 : f32 to vector<1x16384xf32>
    %select_n3A_178 = arith.select %eq3A_175, %select_n3A_160, %broadcast_in_dim3A_177 : vector<1x16384xi1>, vector<1x16384xf32>
    %reduce_sum3A = vector.shape_cast %select_n3A_178 : vector<1x16384xf32> to vector<1x1x16384xf32>
    %reduce_sum3A_179 = arith.constant dense<0.000000e+00> : vector<1xf32>
    %reduce_sum3A_180 = vector.multi_reduction <add>, %reduce_sum3A, %reduce_sum3A_179 [1, 2] : vector<1x1x16384xf32> to vector<1xf32>
    %reduce_sum3A_181 = vector.shape_cast %reduce_sum3A_180 : vector<1xf32> to vector<1x1x1xf32>
    %reduce_sum3A_182 = vector.extract %reduce_sum3A_181[0, 0, 0] : f32 from vector<1x1x1xf32>
    %get3A_183 = arith.constant 1 : index
    %get3A_184 = memref.load %arg0[%get3A_183] : memref<17xi32, #tpu.memory_space<smem>>
    %get3A_185 = arith.constant 0 : index
    %get3A_186 = memref.load %arg0[%get3A_185] : memref<17xi32, #tpu.memory_space<smem>>
    %sub3A = arith.subi %get3A_184, %get3A_186 : i32
    %convert_element_type3A = arith.sitofp %sub3A : i32 to f32
    %div3A = arith.divf %reduce_sum3A_182, %convert_element_type3A : f32
    %sub3A_187 = arith.constant 1.000000e+00 : f32
    %sub3A_188 = arith.subf %sub3A_187, %div3A : f32
    %div3A_189 = arith.constant 0.879999995 : f32
    %div3A_190 = arith.divf %div3A_189, %sub3A_188 : f32
    %eq3A_191 = arith.constant 0 : i32
    %eq3A_192 = vector.broadcast %eq3A_191 : i32 to vector<1x16384xi32>
    %eq3A_193 = arith.cmpi eq, %add3A_148, %eq3A_192 : vector<1x16384xi32>
    %broadcast_in_dim3A_194 = vector.broadcast %div3A_190 : f32 to vector<1x16384xf32>
    %select_n3A_195 = arith.select %eq3A_193, %broadcast_in_dim3A_194, %broadcast_in_dim3A_172 : vector<1x16384xi1>, vector<1x16384xf32>
    %mul3A_196 = vector.broadcast %div3A_190 : f32 to vector<64x1280xf32>
    %mul3A_197 = arith.mulf %select_n3A_170, %mul3A_196 : vector<64x1280xf32>
    %swap3A_198 = arith.constant 0 : index
    %swap3A_199 = arith.constant 0 : index
    %swap3A_200 = vector.load %arg3[%swap3A_198, %swap3A_199] : memref<1024x1280xf32, #tpu.memory_space<vmem>>, vector<64x1280xf32>
    tpu.vector_store %arg3[%swap3A_198, %swap3A_199], %mul3A_197 {strides = array<i32>} : memref<1024x1280xf32, #tpu.memory_space<vmem>>, vector<64x1280xf32>,
    %eq3A_201 = arith.constant 1 : i32
    %eq3A_202 = vector.broadcast %eq3A_201 : i32 to vector<1x16384xi32>
    %eq3A_203 = arith.cmpi eq, %add3A_148, %eq3A_202 : vector<1x16384xi32>
    %jit3A_204 = arith.constant 0.000000e+00 : f32
    %broadcast_in_dim3A_205 = vector.broadcast %jit3A_204 : f32 to vector<1x16384xf32>
    %select_n3A_206 = arith.select %eq3A_203, %select_n3A_160, %broadcast_in_dim3A_205 : vector<1x16384xi1>, vector<1x16384xf32>
    %reduce_sum3A_207 = vector.shape_cast %select_n3A_206 : vector<1x16384xf32> to vector<1x1x16384xf32>
    %reduce_sum3A_208 = arith.constant dense<0.000000e+00> : vector<1xf32>
    %reduce_sum3A_209 = vector.multi_reduction <add>, %reduce_sum3A_207, %reduce_sum3A_208 [1, 2] : vector<1x1x16384xf32> to vector<1xf32>
    %reduce_sum3A_210 = vector.shape_cast %reduce_sum3A_209 : vector<1xf32> to vector<1x1x1xf32>
    %reduce_sum3A_211 = vector.extract %reduce_sum3A_210[0, 0, 0] : f32 from vector<1x1x1xf32>
    %get3A_212 = arith.constant 2 : index
    %get3A_213 = memref.load %arg0[%get3A_212] : memref<17xi32, #tpu.memory_space<smem>>
    %get3A_214 = arith.constant 1 : index
    %get3A_215 = memref.load %arg0[%get3A_214] : memref<17xi32, #tpu.memory_space<smem>>
    %sub3A_216 = arith.subi %get3A_213, %get3A_215 : i32
    %convert_element_type3A_217 = arith.sitofp %sub3A_216 : i32 to f32
    %div3A_218 = arith.divf %reduce_sum3A_211, %convert_element_type3A_217 : f32
    %sub3A_219 = arith.constant 1.000000e+00 : f32
    %sub3A_220 = arith.subf %sub3A_219, %div3A_218 : f32
    %div3A_221 = arith.constant 0.879999995 : f32
    %div3A_222 = arith.divf %div3A_221, %sub3A_220 : f32
    %eq3A_223 = arith.constant 1 : i32
    %eq3A_224 = vector.broadcast %eq3A_223 : i32 to vector<1x16384xi32>
    %eq3A_225 = arith.cmpi eq, %add3A_148, %eq3A_224 : vector<1x16384xi32>
    %broadcast_in_dim3A_226 = vector.broadcast %div3A_222 : f32 to vector<1x16384xf32>
    %select_n3A_227 = arith.select %eq3A_225, %broadcast_in_dim3A_226, %select_n3A_195 : vector<1x16384xi1>, vector<1x16384xf32>
    %mul3A_228 = vector.broadcast %div3A_222 : f32 to vector<64x1280xf32>
    %mul3A_229 = arith.mulf %select_n3A_170, %mul3A_228 : vector<64x1280xf32>
    %swap3A_230 = arith.constant 64 : index
    %swap3A_231 = arith.constant 0 : index
    %swap3A_232 = vector.load %arg3[%swap3A_230, %swap3A_231] : memref<1024x1280xf32, #tpu.memory_space<vmem>>, vector<64x1280xf32>
    tpu.vector_store %arg3[%swap3A_230, %swap3A_231], %mul3A_229 {strides = array<i32>} : memref<1024x1280xf32, #tpu.memory_space<vmem>>, vector<64x1280xf32>,
    %eq3A_233 = arith.constant 2 : i32
    %eq3A_234 = vector.broadcast %eq3A_233 : i32 to vector<1x16384xi32>
    %eq3A_235 = arith.cmpi eq, %add3A_148, %eq3A_234 : vector<1x16384xi32>
    %jit3A_236 = arith.constant 0.000000e+00 : f32
    %broadcast_in_dim3A_237 = vector.broadcast %jit3A_236 : f32 to vector<1x16384xf32>
    %select_n3A_238 = arith.select %eq3A_235, %select_n3A_160, %broadcast_in_dim3A_237 : vector<1x16384xi1>, vector<1x16384xf32>
    %reduce_sum3A_239 = vector.shape_cast %select_n3A_238 : vector<1x16384xf32> to vector<1x1x16384xf32>
    %reduce_sum3A_240 = arith.constant dense<0.000000e+00> : vector<1xf32>
    %reduce_sum3A_241 = vector.multi_reduction <add>, %reduce_sum3A_239, %reduce_sum3A_240 [1, 2] : vector<1x1x16384xf32> to vector<1xf32>
    %reduce_sum3A_242 = vector.shape_cast %reduce_sum3A_241 : vector<1xf32> to vector<1x1x1xf32>
    %reduce_sum3A_243 = vector.extract %reduce_sum3A_242[0, 0, 0] : f32 from vector<1x1x1xf32>
    %get3A_244 = arith.constant 3 : index
    %get3A_245 = memref.load %arg0[%get3A_244] : memref<17xi32, #tpu.memory_space<smem>>
    %get3A_246 = arith.constant 2 : index
    %get3A_247 = memref.load %arg0[%get3A_246] : memref<17xi32, #tpu.memory_space<smem>>
    %sub3A_248 = arith.subi %get3A_245, %get3A_247 : i32
    %convert_element_type3A_249 = arith.sitofp %sub3A_248 : i32 to f32
    %div3A_250 = arith.divf %reduce_sum3A_243, %convert_element_type3A_249 : f32
    %sub3A_251 = arith.constant 1.000000e+00 : f32
    %sub3A_252 = arith.subf %sub3A_251, %div3A_250 : f32
    %div3A_253 = arith.constant 0.879999995 : f32
    %div3A_254 = arith.divf %div3A_253, %sub3A_252 : f32
    %eq3A_255 = arith.constant 2 : i32
    %eq3A_256 = vector.broadcast %eq3A_255 : i32 to vector<1x16384xi32>
    %eq3A_257 = arith.cmpi eq, %add3A_148, %eq3A_256 : vector<1x16384xi32>
    %broadcast_in_dim3A_258 = vector.broadcast %div3A_254 : f32 to vector<1x16384xf32>
    %select_n3A_259 = arith.select %eq3A_257, %broadcast_in_dim3A_258, %select_n3A_227 : vector<1x16384xi1>, vector<1x16384xf32>
    %mul3A_260 = vector.broadcast %div3A_254 : f32 to vector<64x1280xf32>
    %mul3A_261 = arith.mulf %select_n3A_170, %mul3A_260 : vector<64x1280xf32>
    %swap3A_262 = arith.constant 128 : index
    %swap3A_263 = arith.constant 0 : index
    %swap3A_264 = vector.load %arg3[%swap3A_262, %swap3A_263] : memref<1024x1280xf32, #tpu.memory_space<vmem>>, vector<64x1280xf32>
    tpu.vector_store %arg3[%swap3A_262, %swap3A_263], %mul3A_261 {strides = array<i32>} : memref<1024x1280xf32, #tpu.memory_space<vmem>>, vector<64x1280xf32>,
    %eq3A_265 = arith.constant 3 : i32
    %eq3A_266 = vector.broadcast %eq3A_265 : i32 to vector<1x16384xi32>
    %eq3A_267 = arith.cmpi eq, %add3A_148, %eq3A_266 : vector<1x16384xi32>
    %jit3A_268 = arith.constant 0.000000e+00 : f32
    %broadcast_in_dim3A_269 = vector.broadcast %jit3A_268 : f32 to vector<1x16384xf32>
    %select_n3A_270 = arith.select %eq3A_267, %select_n3A_160, %broadcast_in_dim3A_269 : vector<1x16384xi1>, vector<1x16384xf32>
    %reduce_sum3A_271 = vector.shape_cast %select_n3A_270 : vector<1x16384xf32> to vector<1x1x16384xf32>
    %reduce_sum3A_272 = arith.constant dense<0.000000e+00> : vector<1xf32>
    %reduce_sum3A_273 = vector.multi_reduction <add>, %reduce_sum3A_271, %reduce_sum3A_272 [1, 2] : vector<1x1x16384xf32> to vector<1xf32>
    %reduce_sum3A_274 = vector.shape_cast %reduce_sum3A_273 : vector<1xf32> to vector<1x1x1xf32>
    %reduce_sum3A_275 = vector.extract %reduce_sum3A_274[0, 0, 0] : f32 from vector<1x1x1xf32>
    %get3A_276 = arith.constant 4 : index
    %get3A_277 = memref.load %arg0[%get3A_276] : memref<17xi32, #tpu.memory_space<smem>>
    %get3A_278 = arith.constant 3 : index
    %get3A_279 = memref.load %arg0[%get3A_278] : memref<17xi32, #tpu.memory_space<smem>>
    %sub3A_280 = arith.subi %get3A_277, %get3A_279 : i32
    %convert_element_type3A_281 = arith.sitofp %sub3A_280 : i32 to f32
    %div3A_282 = arith.divf %reduce_sum3A_275, %convert_element_type3A_281 : f32
    %sub3A_283 = arith.constant 1.000000e+00 : f32
    %sub3A_284 = arith.subf %sub3A_283, %div3A_282 : f32
    %div3A_285 = arith.constant 0.879999995 : f32
    %div3A_286 = arith.divf %div3A_285, %sub3A_284 : f32
    %eq3A_287 = arith.constant 3 : i32
    %eq3A_288 = vector.broadcast %eq3A_287 : i32 to vector<1x16384xi32>
    %eq3A_289 = arith.cmpi eq, %add3A_148, %eq3A_288 : vector<1x16384xi32>
    %broadcast_in_dim3A_290 = vector.broadcast %div3A_286 : f32 to vector<1x16384xf32>
    %select_n3A_291 = arith.select %eq3A_289, %broadcast_in_dim3A_290, %select_n3A_259 : vector<1x16384xi1>, vector<1x16384xf32>
    %mul3A_292 = vector.broadcast %div3A_286 : f32 to vector<64x1280xf32>
    %mul3A_293 = arith.mulf %select_n3A_170, %mul3A_292 : vector<64x1280xf32>
    %swap3A_294 = arith.constant 192 : index
    %swap3A_295 = arith.constant 0 : index
    %swap3A_296 = vector.load %arg3[%swap3A_294, %swap3A_295] : memref<1024x1280xf32, #tpu.memory_space<vmem>>, vector<64x1280xf32>
    tpu.vector_store %arg3[%swap3A_294, %swap3A_295], %mul3A_293 {strides = array<i32>} : memref<1024x1280xf32, #tpu.memory_space<vmem>>, vector<64x1280xf32>,
    %eq3A_297 = arith.constant 4 : i32
    %eq3A_298 = vector.broadcast %eq3A_297 : i32 to vector<1x16384xi32>
    %eq3A_299 = arith.cmpi eq, %add3A_148, %eq3A_298 : vector<1x16384xi32>
    %jit3A_300 = arith.constant 0.000000e+00 : f32
    %broadcast_in_dim3A_301 = vector.broadcast %jit3A_300 : f32 to vector<1x16384xf32>
    %select_n3A_302 = arith.select %eq3A_299, %select_n3A_160, %broadcast_in_dim3A_301 : vector<1x16384xi1>, vector<1x16384xf32>
    %reduce_sum3A_303 = vector.shape_cast %select_n3A_302 : vector<1x16384xf32> to vector<1x1x16384xf32>
    %reduce_sum3A_304 = arith.constant dense<0.000000e+00> : vector<1xf32>
    %reduce_sum3A_305 = vector.multi_reduction <add>, %reduce_sum3A_303, %reduce_sum3A_304 [1, 2] : vector<1x1x16384xf32> to vector<1xf32>
    %reduce_sum3A_306 = vector.shape_cast %reduce_sum3A_305 : vector<1xf32> to vector<1x1x1xf32>
    %reduce_sum3A_307 = vector.extract %reduce_sum3A_306[0, 0, 0] : f32 from vector<1x1x1xf32>
    %get3A_308 = arith.constant 5 : index
    %get3A_309 = memref.load %arg0[%get3A_308] : memref<17xi32, #tpu.memory_space<smem>>
    %get3A_310 = arith.constant 4 : index
    %get3A_311 = memref.load %arg0[%get3A_310] : memref<17xi32, #tpu.memory_space<smem>>
    %sub3A_312 = arith.subi %get3A_309, %get3A_311 : i32
    %convert_element_type3A_313 = arith.sitofp %sub3A_312 : i32 to f32
    %div3A_314 = arith.divf %reduce_sum3A_307, %convert_element_type3A_313 : f32
    %sub3A_315 = arith.constant 1.000000e+00 : f32
    %sub3A_316 = arith.subf %sub3A_315, %div3A_314 : f32
    %div3A_317 = arith.constant 0.879999995 : f32
    %div3A_318 = arith.divf %div3A_317, %sub3A_316 : f32
    %eq3A_319 = arith.constant 4 : i32
    %eq3A_320 = vector.broadcast %eq3A_319 : i32 to vector<1x16384xi32>
    %eq3A_321 = arith.cmpi eq, %add3A_148, %eq3A_320 : vector<1x16384xi32>
    %broadcast_in_dim3A_322 = vector.broadcast %div3A_318 : f32 to vector<1x16384xf32>
    %select_n3A_323 = arith.select %eq3A_321, %broadcast_in_dim3A_322, %select_n3A_291 : vector<1x16384xi1>, vector<1x16384xf32>
    %mul3A_324 = vector.broadcast %div3A_318 : f32 to vector<64x1280xf32>
    %mul3A_325 = arith.mulf %select_n3A_170, %mul3A_324 : vector<64x1280xf32>
    %swap3A_326 = arith.constant 256 : index
    %swap3A_327 = arith.constant 0 : index
    %swap3A_328 = vector.load %arg3[%swap3A_326, %swap3A_327] : memref<1024x1280xf32, #tpu.memory_space<vmem>>, vector<64x1280xf32>
    tpu.vector_store %arg3[%swap3A_326, %swap3A_327], %mul3A_325 {strides = array<i32>} : memref<1024x1280xf32, #tpu.memory_space<vmem>>, vector<64x1280xf32>,
    %eq3A_329 = arith.constant 5 : i32
    %eq3A_330 = vector.broadcast %eq3A_329 : i32 to vector<1x16384xi32>
    %eq3A_331 = arith.cmpi eq, %add3A_148, %eq3A_330 : vector<1x16384xi32>
    %jit3A_332 = arith.constant 0.000000e+00 : f32
    %broadcast_in_dim3A_333 = vector.broadcast %jit3A_332 : f32 to vector<1x16384xf32>
    %select_n3A_334 = arith.select %eq3A_331, %select_n3A_160, %broadcast_in_dim3A_333 : vector<1x16384xi1>, vector<1x16384xf32>
    %reduce_sum3A_335 = vector.shape_cast %select_n3A_334 : vector<1x16384xf32> to vector<1x1x16384xf32>
    %reduce_sum3A_336 = arith.constant dense<0.000000e+00> : vector<1xf32>
    %reduce_sum3A_337 = vector.multi_reduction <add>, %reduce_sum3A_335, %reduce_sum3A_336 [1, 2] : vector<1x1x16384xf32> to vector<1xf32>
    %reduce_sum3A_338 = vector.shape_cast %reduce_sum3A_337 : vector<1xf32> to vector<1x1x1xf32>
    %reduce_sum3A_339 = vector.extract %reduce_sum3A_338[0, 0, 0] : f32 from vector<1x1x1xf32>
    %get3A_340 = arith.constant 6 : index
    %get3A_341 = memref.load %arg0[%get3A_340] : memref<17xi32, #tpu.memory_space<smem>>
    %get3A_342 = arith.constant 5 : index
    %get3A_343 = memref.load %arg0[%get3A_342] : memref<17xi32, #tpu.memory_space<smem>>
    %sub3A_344 = arith.subi %get3A_341, %get3A_343 : i32
    %convert_element_type3A_345 = arith.sitofp %sub3A_344 : i32 to f32
    %div3A_346 = arith.divf %reduce_sum3A_339, %convert_element_type3A_345 : f32
    %sub3A_347 = arith.constant 1.000000e+00 : f32
    %sub3A_348 = arith.subf %sub3A_347, %div3A_346 : f32
    %div3A_349 = arith.constant 0.879999995 : f32
    %div3A_350 = arith.divf %div3A_349, %sub3A_348 : f32
    %eq3A_351 = arith.constant 5 : i32
    %eq3A_352 = vector.broadcast %eq3A_351 : i32 to vector<1x16384xi32>
    %eq3A_353 = arith.cmpi eq, %add3A_148, %eq3A_352 : vector<1x16384xi32>
    %broadcast_in_dim3A_354 = vector.broadcast %div3A_350 : f32 to vector<1x16384xf32>
    %select_n3A_355 = arith.select %eq3A_353, %broadcast_in_dim3A_354, %select_n3A_323 : vector<1x16384xi1>, vector<1x16384xf32>
    %mul3A_356 = vector.broadcast %div3A_350 : f32 to vector<64x1280xf32>
    %mul3A_357 = arith.mulf %select_n3A_170, %mul3A_356 : vector<64x1280xf32>
    %swap3A_358 = arith.constant 320 : index
    %swap3A_359 = arith.constant 0 : index
    %swap3A_360 = vector.load %arg3[%swap3A_358, %swap3A_359] : memref<1024x1280xf32, #tpu.memory_space<vmem>>, vector<64x1280xf32>
    tpu.vector_store %arg3[%swap3A_358, %swap3A_359], %mul3A_357 {strides = array<i32>} : memref<1024x1280xf32, #tpu.memory_space<vmem>>, vector<64x1280xf32>,
    %eq3A_361 = arith.constant 6 : i32
    %eq3A_362 = vector.broadcast %eq3A_361 : i32 to vector<1x16384xi32>
    %eq3A_363 = arith.cmpi eq, %add3A_148, %eq3A_362 : vector<1x16384xi32>
    %jit3A_364 = arith.constant 0.000000e+00 : f32
    %broadcast_in_dim3A_365 = vector.broadcast %jit3A_364 : f32 to vector<1x16384xf32>
    %select_n3A_366 = arith.select %eq3A_363, %select_n3A_160, %broadcast_in_dim3A_365 : vector<1x16384xi1>, vector<1x16384xf32>
    %reduce_sum3A_367 = vector.shape_cast %select_n3A_366 : vector<1x16384xf32> to vector<1x1x16384xf32>
    %reduce_sum3A_368 = arith.constant dense<0.000000e+00> : vector<1xf32>
    %reduce_sum3A_369 = vector.multi_reduction <add>, %reduce_sum3A_367, %reduce_sum3A_368 [1, 2] : vector<1x1x16384xf32> to vector<1xf32>
    %reduce_sum3A_370 = vector.shape_cast %reduce_sum3A_369 : vector<1xf32> to vector<1x1x1xf32>
    %reduce_sum3A_371 = vector.extract %reduce_sum3A_370[0, 0, 0] : f32 from vector<1x1x1xf32>
    %get3A_372 = arith.constant 7 : index
    %get3A_373 = memref.load %arg0[%get3A_372] : memref<17xi32, #tpu.memory_space<smem>>
    %get3A_374 = arith.constant 6 : index
    %get3A_375 = memref.load %arg0[%get3A_374] : memref<17xi32, #tpu.memory_space<smem>>
    %sub3A_376 = arith.subi %get3A_373, %get3A_375 : i32
    %convert_element_type3A_377 = arith.sitofp %sub3A_376 : i32 to f32
    %div3A_378 = arith.divf %reduce_sum3A_371, %convert_element_type3A_377 : f32
    %sub3A_379 = arith.constant 1.000000e+00 : f32
    %sub3A_380 = arith.subf %sub3A_379, %div3A_378 : f32
    %div3A_381 = arith.constant 0.879999995 : f32
    %div3A_382 = arith.divf %div3A_381, %sub3A_380 : f32
    %eq3A_383 = arith.constant 6 : i32
    %eq3A_384 = vector.broadcast %eq3A_383 : i32 to vector<1x16384xi32>
    %eq3A_385 = arith.cmpi eq, %add3A_148, %eq3A_384 : vector<1x16384xi32>
    %broadcast_in_dim3A_386 = vector.broadcast %div3A_382 : f32 to vector<1x16384xf32>
    %select_n3A_387 = arith.select %eq3A_385, %broadcast_in_dim3A_386, %select_n3A_355 : vector<1x16384xi1>, vector<1x16384xf32>
    %mul3A_388 = vector.broadcast %div3A_382 : f32 to vector<64x1280xf32>
    %mul3A_389 = arith.mulf %select_n3A_170, %mul3A_388 : vector<64x1280xf32>
    %swap3A_390 = arith.constant 384 : index
    %swap3A_391 = arith.constant 0 : index
    %swap3A_392 = vector.load %arg3[%swap3A_390, %swap3A_391] : memref<1024x1280xf32, #tpu.memory_space<vmem>>, vector<64x1280xf32>
    tpu.vector_store %arg3[%swap3A_390, %swap3A_391], %mul3A_389 {strides = array<i32>} : memref<1024x1280xf32, #tpu.memory_space<vmem>>, vector<64x1280xf32>,
    %eq3A_393 = arith.constant 7 : i32
    %eq3A_394 = vector.broadcast %eq3A_393 : i32 to vector<1x16384xi32>
    %eq3A_395 = arith.cmpi eq, %add3A_148, %eq3A_394 : vector<1x16384xi32>
    %jit3A_396 = arith.constant 0.000000e+00 : f32
    %broadcast_in_dim3A_397 = vector.broadcast %jit3A_396 : f32 to vector<1x16384xf32>
    %select_n3A_398 = arith.select %eq3A_395, %select_n3A_160, %broadcast_in_dim3A_397 : vector<1x16384xi1>, vector<1x16384xf32>
    %reduce_sum3A_399 = vector.shape_cast %select_n3A_398 : vector<1x16384xf32> to vector<1x1x16384xf32>
    %reduce_sum3A_400 = arith.constant dense<0.000000e+00> : vector<1xf32>
    %reduce_sum3A_401 = vector.multi_reduction <add>, %reduce_sum3A_399, %reduce_sum3A_400 [1, 2] : vector<1x1x16384xf32> to vector<1xf32>
    %reduce_sum3A_402 = vector.shape_cast %reduce_sum3A_401 : vector<1xf32> to vector<1x1x1xf32>
    %reduce_sum3A_403 = vector.extract %reduce_sum3A_402[0, 0, 0] : f32 from vector<1x1x1xf32>
    %get3A_404 = arith.constant 8 : index
    %get3A_405 = memref.load %arg0[%get3A_404] : memref<17xi32, #tpu.memory_space<smem>>
    %get3A_406 = arith.constant 7 : index
    %get3A_407 = memref.load %arg0[%get3A_406] : memref<17xi32, #tpu.memory_space<smem>>
    %sub3A_408 = arith.subi %get3A_405, %get3A_407 : i32
    %convert_element_type3A_409 = arith.sitofp %sub3A_408 : i32 to f32
    %div3A_410 = arith.divf %reduce_sum3A_403, %convert_element_type3A_409 : f32
    %sub3A_411 = arith.constant 1.000000e+00 : f32
    %sub3A_412 = arith.subf %sub3A_411, %div3A_410 : f32
    %div3A_413 = arith.constant 0.879999995 : f32
    %div3A_414 = arith.divf %div3A_413, %sub3A_412 : f32
    %eq3A_415 = arith.constant 7 : i32
    %eq3A_416 = vector.broadcast %eq3A_415 : i32 to vector<1x16384xi32>
    %eq3A_417 = arith.cmpi eq, %add3A_148, %eq3A_416 : vector<1x16384xi32>
    %broadcast_in_dim3A_418 = vector.broadcast %div3A_414 : f32 to vector<1x16384xf32>
    %select_n3A_419 = arith.select %eq3A_417, %broadcast_in_dim3A_418, %select_n3A_387 : vector<1x16384xi1>, vector<1x16384xf32>
    %mul3A_420 = vector.broadcast %div3A_414 : f32 to vector<64x1280xf32>
    %mul3A_421 = arith.mulf %select_n3A_170, %mul3A_420 : vector<64x1280xf32>
    %swap3A_422 = arith.constant 448 : index
    %swap3A_423 = arith.constant 0 : index
    %swap3A_424 = vector.load %arg3[%swap3A_422, %swap3A_423] : memref<1024x1280xf32, #tpu.memory_space<vmem>>, vector<64x1280xf32>
    tpu.vector_store %arg3[%swap3A_422, %swap3A_423], %mul3A_421 {strides = array<i32>} : memref<1024x1280xf32, #tpu.memory_space<vmem>>, vector<64x1280xf32>,
    %eq3A_425 = arith.constant 8 : i32
    %eq3A_426 = vector.broadcast %eq3A_425 : i32 to vector<1x16384xi32>
    %eq3A_427 = arith.cmpi eq, %add3A_148, %eq3A_426 : vector<1x16384xi32>
    %jit3A_428 = arith.constant 0.000000e+00 : f32
    %broadcast_in_dim3A_429 = vector.broadcast %jit3A_428 : f32 to vector<1x16384xf32>
    %select_n3A_430 = arith.select %eq3A_427, %select_n3A_160, %broadcast_in_dim3A_429 : vector<1x16384xi1>, vector<1x16384xf32>
    %reduce_sum3A_431 = vector.shape_cast %select_n3A_430 : vector<1x16384xf32> to vector<1x1x16384xf32>
    %reduce_sum3A_432 = arith.constant dense<0.000000e+00> : vector<1xf32>
    %reduce_sum3A_433 = vector.multi_reduction <add>, %reduce_sum3A_431, %reduce_sum3A_432 [1, 2] : vector<1x1x16384xf32> to vector<1xf32>
    %reduce_sum3A_434 = vector.shape_cast %reduce_sum3A_433 : vector<1xf32> to vector<1x1x1xf32>
    %reduce_sum3A_435 = vector.extract %reduce_sum3A_434[0, 0, 0] : f32 from vector<1x1x1xf32>
    %get3A_436 = arith.constant 9 : index
    %get3A_437 = memref.load %arg0[%get3A_436] : memref<17xi32, #tpu.memory_space<smem>>
    %get3A_438 = arith.constant 8 : index
    %get3A_439 = memref.load %arg0[%get3A_438] : memref<17xi32, #tpu.memory_space<smem>>
    %sub3A_440 = arith.subi %get3A_437, %get3A_439 : i32
    %convert_element_type3A_441 = arith.sitofp %sub3A_440 : i32 to f32
    %div3A_442 = arith.divf %reduce_sum3A_435, %convert_element_type3A_441 : f32
    %sub3A_443 = arith.constant 1.000000e+00 : f32
    %sub3A_444 = arith.subf %sub3A_443, %div3A_442 : f32
    %div3A_445 = arith.constant 0.879999995 : f32
    %div3A_446 = arith.divf %div3A_445, %sub3A_444 : f32
    %eq3A_447 = arith.constant 8 : i32
    %eq3A_448 = vector.broadcast %eq3A_447 : i32 to vector<1x16384xi32>
    %eq3A_449 = arith.cmpi eq, %add3A_148, %eq3A_448 : vector<1x16384xi32>
    %broadcast_in_dim3A_450 = vector.broadcast %div3A_446 : f32 to vector<1x16384xf32>
    %select_n3A_451 = arith.select %eq3A_449, %broadcast_in_dim3A_450, %select_n3A_419 : vector<1x16384xi1>, vector<1x16384xf32>
    %mul3A_452 = vector.broadcast %div3A_446 : f32 to vector<64x1280xf32>
    %mul3A_453 = arith.mulf %select_n3A_170, %mul3A_452 : vector<64x1280xf32>
    %swap3A_454 = arith.constant 512 : index
    %swap3A_455 = arith.constant 0 : index
    %swap3A_456 = vector.load %arg3[%swap3A_454, %swap3A_455] : memref<1024x1280xf32, #tpu.memory_space<vmem>>, vector<64x1280xf32>
    tpu.vector_store %arg3[%swap3A_454, %swap3A_455], %mul3A_453 {strides = array<i32>} : memref<1024x1280xf32, #tpu.memory_space<vmem>>, vector<64x1280xf32>,
    %eq3A_457 = arith.constant 9 : i32
    %eq3A_458 = vector.broadcast %eq3A_457 : i32 to vector<1x16384xi32>
    %eq3A_459 = arith.cmpi eq, %add3A_148, %eq3A_458 : vector<1x16384xi32>
    %jit3A_460 = arith.constant 0.000000e+00 : f32
    %broadcast_in_dim3A_461 = vector.broadcast %jit3A_460 : f32 to vector<1x16384xf32>
    %select_n3A_462 = arith.select %eq3A_459, %select_n3A_160, %broadcast_in_dim3A_461 : vector<1x16384xi1>, vector<1x16384xf32>
    %reduce_sum3A_463 = vector.shape_cast %select_n3A_462 : vector<1x16384xf32> to vector<1x1x16384xf32>
    %reduce_sum3A_464 = arith.constant dense<0.000000e+00> : vector<1xf32>
    %reduce_sum3A_465 = vector.multi_reduction <add>, %reduce_sum3A_463, %reduce_sum3A_464 [1, 2] : vector<1x1x16384xf32> to vector<1xf32>
    %reduce_sum3A_466 = vector.shape_cast %reduce_sum3A_465 : vector<1xf32> to vector<1x1x1xf32>
    %reduce_sum3A_467 = vector.extract %reduce_sum3A_466[0, 0, 0] : f32 from vector<1x1x1xf32>
    %get3A_468 = arith.constant 10 : index
    %get3A_469 = memref.load %arg0[%get3A_468] : memref<17xi32, #tpu.memory_space<smem>>
    %get3A_470 = arith.constant 9 : index
    %get3A_471 = memref.load %arg0[%get3A_470] : memref<17xi32, #tpu.memory_space<smem>>
    %sub3A_472 = arith.subi %get3A_469, %get3A_471 : i32
    %convert_element_type3A_473 = arith.sitofp %sub3A_472 : i32 to f32
    %div3A_474 = arith.divf %reduce_sum3A_467, %convert_element_type3A_473 : f32
    %sub3A_475 = arith.constant 1.000000e+00 : f32
    %sub3A_476 = arith.subf %sub3A_475, %div3A_474 : f32
    %div3A_477 = arith.constant 0.879999995 : f32
    %div3A_478 = arith.divf %div3A_477, %sub3A_476 : f32
    %eq3A_479 = arith.constant 9 : i32
    %eq3A_480 = vector.broadcast %eq3A_479 : i32 to vector<1x16384xi32>
    %eq3A_481 = arith.cmpi eq, %add3A_148, %eq3A_480 : vector<1x16384xi32>
    %broadcast_in_dim3A_482 = vector.broadcast %div3A_478 : f32 to vector<1x16384xf32>
    %select_n3A_483 = arith.select %eq3A_481, %broadcast_in_dim3A_482, %select_n3A_451 : vector<1x16384xi1>, vector<1x16384xf32>
    %mul3A_484 = vector.broadcast %div3A_478 : f32 to vector<64x1280xf32>
    %mul3A_485 = arith.mulf %select_n3A_170, %mul3A_484 : vector<64x1280xf32>
    %swap3A_486 = arith.constant 576 : index
    %swap3A_487 = arith.constant 0 : index
    %swap3A_488 = vector.load %arg3[%swap3A_486, %swap3A_487] : memref<1024x1280xf32, #tpu.memory_space<vmem>>, vector<64x1280xf32>
    tpu.vector_store %arg3[%swap3A_486, %swap3A_487], %mul3A_485 {strides = array<i32>} : memref<1024x1280xf32, #tpu.memory_space<vmem>>, vector<64x1280xf32>,
    %eq3A_489 = arith.constant 10 : i32
    %eq3A_490 = vector.broadcast %eq3A_489 : i32 to vector<1x16384xi32>
    %eq3A_491 = arith.cmpi eq, %add3A_148, %eq3A_490 : vector<1x16384xi32>
    %jit3A_492 = arith.constant 0.000000e+00 : f32
    %broadcast_in_dim3A_493 = vector.broadcast %jit3A_492 : f32 to vector<1x16384xf32>
    %select_n3A_494 = arith.select %eq3A_491, %select_n3A_160, %broadcast_in_dim3A_493 : vector<1x16384xi1>, vector<1x16384xf32>
    %reduce_sum3A_495 = vector.shape_cast %select_n3A_494 : vector<1x16384xf32> to vector<1x1x16384xf32>
    %reduce_sum3A_496 = arith.constant dense<0.000000e+00> : vector<1xf32>
    %reduce_sum3A_497 = vector.multi_reduction <add>, %reduce_sum3A_495, %reduce_sum3A_496 [1, 2] : vector<1x1x16384xf32> to vector<1xf32>
    %reduce_sum3A_498 = vector.shape_cast %reduce_sum3A_497 : vector<1xf32> to vector<1x1x1xf32>
    %reduce_sum3A_499 = vector.extract %reduce_sum3A_498[0, 0, 0] : f32 from vector<1x1x1xf32>
    %get3A_500 = arith.constant 11 : index
    %get3A_501 = memref.load %arg0[%get3A_500] : memref<17xi32, #tpu.memory_space<smem>>
    %get3A_502 = arith.constant 10 : index
    %get3A_503 = memref.load %arg0[%get3A_502] : memref<17xi32, #tpu.memory_space<smem>>
    %sub3A_504 = arith.subi %get3A_501, %get3A_503 : i32
    %convert_element_type3A_505 = arith.sitofp %sub3A_504 : i32 to f32
    %div3A_506 = arith.divf %reduce_sum3A_499, %convert_element_type3A_505 : f32
    %sub3A_507 = arith.constant 1.000000e+00 : f32
    %sub3A_508 = arith.subf %sub3A_507, %div3A_506 : f32
    %div3A_509 = arith.constant 0.879999995 : f32
    %div3A_510 = arith.divf %div3A_509, %sub3A_508 : f32
    %eq3A_511 = arith.constant 10 : i32
    %eq3A_512 = vector.broadcast %eq3A_511 : i32 to vector<1x16384xi32>
    %eq3A_513 = arith.cmpi eq, %add3A_148, %eq3A_512 : vector<1x16384xi32>
    %broadcast_in_dim3A_514 = vector.broadcast %div3A_510 : f32 to vector<1x16384xf32>
    %select_n3A_515 = arith.select %eq3A_513, %broadcast_in_dim3A_514, %select_n3A_483 : vector<1x16384xi1>, vector<1x16384xf32>
    %mul3A_516 = vector.broadcast %div3A_510 : f32 to vector<64x1280xf32>
    %mul3A_517 = arith.mulf %select_n3A_170, %mul3A_516 : vector<64x1280xf32>
    %swap3A_518 = arith.constant 640 : index
    %swap3A_519 = arith.constant 0 : index
    %swap3A_520 = vector.load %arg3[%swap3A_518, %swap3A_519] : memref<1024x1280xf32, #tpu.memory_space<vmem>>, vector<64x1280xf32>
    tpu.vector_store %arg3[%swap3A_518, %swap3A_519], %mul3A_517 {strides = array<i32>} : memref<1024x1280xf32, #tpu.memory_space<vmem>>, vector<64x1280xf32>,
    %eq3A_521 = arith.constant 11 : i32
    %eq3A_522 = vector.broadcast %eq3A_521 : i32 to vector<1x16384xi32>
    %eq3A_523 = arith.cmpi eq, %add3A_148, %eq3A_522 : vector<1x16384xi32>
    %jit3A_524 = arith.constant 0.000000e+00 : f32
    %broadcast_in_dim3A_525 = vector.broadcast %jit3A_524 : f32 to vector<1x16384xf32>
    %select_n3A_526 = arith.select %eq3A_523, %select_n3A_160, %broadcast_in_dim3A_525 : vector<1x16384xi1>, vector<1x16384xf32>
    %reduce_sum3A_527 = vector.shape_cast %select_n3A_526 : vector<1x16384xf32> to vector<1x1x16384xf32>
    %reduce_sum3A_528 = arith.constant dense<0.000000e+00> : vector<1xf32>
    %reduce_sum3A_529 = vector.multi_reduction <add>, %reduce_sum3A_527, %reduce_sum3A_528 [1, 2] : vector<1x1x16384xf32> to vector<1xf32>
    %reduce_sum3A_530 = vector.shape_cast %reduce_sum3A_529 : vector<1xf32> to vector<1x1x1xf32>
    %reduce_sum3A_531 = vector.extract %reduce_sum3A_530[0, 0, 0] : f32 from vector<1x1x1xf32>
    %get3A_532 = arith.constant 12 : index
    %get3A_533 = memref.load %arg0[%get3A_532] : memref<17xi32, #tpu.memory_space<smem>>
    %get3A_534 = arith.constant 11 : index
    %get3A_535 = memref.load %arg0[%get3A_534] : memref<17xi32, #tpu.memory_space<smem>>
    %sub3A_536 = arith.subi %get3A_533, %get3A_535 : i32
    %convert_element_type3A_537 = arith.sitofp %sub3A_536 : i32 to f32
    %div3A_538 = arith.divf %reduce_sum3A_531, %convert_element_type3A_537 : f32
    %sub3A_539 = arith.constant 1.000000e+00 : f32
    %sub3A_540 = arith.subf %sub3A_539, %div3A_538 : f32
    %div3A_541 = arith.constant 0.879999995 : f32
    %div3A_542 = arith.divf %div3A_541, %sub3A_540 : f32
    %eq3A_543 = arith.constant 11 : i32
    %eq3A_544 = vector.broadcast %eq3A_543 : i32 to vector<1x16384xi32>
    %eq3A_545 = arith.cmpi eq, %add3A_148, %eq3A_544 : vector<1x16384xi32>
    %broadcast_in_dim3A_546 = vector.broadcast %div3A_542 : f32 to vector<1x16384xf32>
    %select_n3A_547 = arith.select %eq3A_545, %broadcast_in_dim3A_546, %select_n3A_515 : vector<1x16384xi1>, vector<1x16384xf32>
    %mul3A_548 = vector.broadcast %div3A_542 : f32 to vector<64x1280xf32>
    %mul3A_549 = arith.mulf %select_n3A_170, %mul3A_548 : vector<64x1280xf32>
    %swap3A_550 = arith.constant 704 : index
    %swap3A_551 = arith.constant 0 : index
    %swap3A_552 = vector.load %arg3[%swap3A_550, %swap3A_551] : memref<1024x1280xf32, #tpu.memory_space<vmem>>, vector<64x1280xf32>
    tpu.vector_store %arg3[%swap3A_550, %swap3A_551], %mul3A_549 {strides = array<i32>} : memref<1024x1280xf32, #tpu.memory_space<vmem>>, vector<64x1280xf32>,
    %eq3A_553 = arith.constant 12 : i32
    %eq3A_554 = vector.broadcast %eq3A_553 : i32 to vector<1x16384xi32>
    %eq3A_555 = arith.cmpi eq, %add3A_148, %eq3A_554 : vector<1x16384xi32>
    %jit3A_556 = arith.constant 0.000000e+00 : f32
    %broadcast_in_dim3A_557 = vector.broadcast %jit3A_556 : f32 to vector<1x16384xf32>
    %select_n3A_558 = arith.select %eq3A_555, %select_n3A_160, %broadcast_in_dim3A_557 : vector<1x16384xi1>, vector<1x16384xf32>
    %reduce_sum3A_559 = vector.shape_cast %select_n3A_558 : vector<1x16384xf32> to vector<1x1x16384xf32>
    %reduce_sum3A_560 = arith.constant dense<0.000000e+00> : vector<1xf32>
    %reduce_sum3A_561 = vector.multi_reduction <add>, %reduce_sum3A_559, %reduce_sum3A_560 [1, 2] : vector<1x1x16384xf32> to vector<1xf32>
    %reduce_sum3A_562 = vector.shape_cast %reduce_sum3A_561 : vector<1xf32> to vector<1x1x1xf32>
    %reduce_sum3A_563 = vector.extract %reduce_sum3A_562[0, 0, 0] : f32 from vector<1x1x1xf32>
    %get3A_564 = arith.constant 13 : index
    %get3A_565 = memref.load %arg0[%get3A_564] : memref<17xi32, #tpu.memory_space<smem>>
    %get3A_566 = arith.constant 12 : index
    %get3A_567 = memref.load %arg0[%get3A_566] : memref<17xi32, #tpu.memory_space<smem>>
    %sub3A_568 = arith.subi %get3A_565, %get3A_567 : i32
    %convert_element_type3A_569 = arith.sitofp %sub3A_568 : i32 to f32
    %div3A_570 = arith.divf %reduce_sum3A_563, %convert_element_type3A_569 : f32
    %sub3A_571 = arith.constant 1.000000e+00 : f32
    %sub3A_572 = arith.subf %sub3A_571, %div3A_570 : f32
    %div3A_573 = arith.constant 0.879999995 : f32
    %div3A_574 = arith.divf %div3A_573, %sub3A_572 : f32
    %eq3A_575 = arith.constant 12 : i32
    %eq3A_576 = vector.broadcast %eq3A_575 : i32 to vector<1x16384xi32>
    %eq3A_577 = arith.cmpi eq, %add3A_148, %eq3A_576 : vector<1x16384xi32>
    %broadcast_in_dim3A_578 = vector.broadcast %div3A_574 : f32 to vector<1x16384xf32>
    %select_n3A_579 = arith.select %eq3A_577, %broadcast_in_dim3A_578, %select_n3A_547 : vector<1x16384xi1>, vector<1x16384xf32>
    %mul3A_580 = vector.broadcast %div3A_574 : f32 to vector<64x1280xf32>
    %mul3A_581 = arith.mulf %select_n3A_170, %mul3A_580 : vector<64x1280xf32>
    %swap3A_582 = arith.constant 768 : index
    %swap3A_583 = arith.constant 0 : index
    %swap3A_584 = vector.load %arg3[%swap3A_582, %swap3A_583] : memref<1024x1280xf32, #tpu.memory_space<vmem>>, vector<64x1280xf32>
    tpu.vector_store %arg3[%swap3A_582, %swap3A_583], %mul3A_581 {strides = array<i32>} : memref<1024x1280xf32, #tpu.memory_space<vmem>>, vector<64x1280xf32>,
    %eq3A_585 = arith.constant 13 : i32
    %eq3A_586 = vector.broadcast %eq3A_585 : i32 to vector<1x16384xi32>
    %eq3A_587 = arith.cmpi eq, %add3A_148, %eq3A_586 : vector<1x16384xi32>
    %jit3A_588 = arith.constant 0.000000e+00 : f32
    %broadcast_in_dim3A_589 = vector.broadcast %jit3A_588 : f32 to vector<1x16384xf32>
    %select_n3A_590 = arith.select %eq3A_587, %select_n3A_160, %broadcast_in_dim3A_589 : vector<1x16384xi1>, vector<1x16384xf32>
    %reduce_sum3A_591 = vector.shape_cast %select_n3A_590 : vector<1x16384xf32> to vector<1x1x16384xf32>
    %reduce_sum3A_592 = arith.constant dense<0.000000e+00> : vector<1xf32>
    %reduce_sum3A_593 = vector.multi_reduction <add>, %reduce_sum3A_591, %reduce_sum3A_592 [1, 2] : vector<1x1x16384xf32> to vector<1xf32>
    %reduce_sum3A_594 = vector.shape_cast %reduce_sum3A_593 : vector<1xf32> to vector<1x1x1xf32>
    %reduce_sum3A_595 = vector.extract %reduce_sum3A_594[0, 0, 0] : f32 from vector<1x1x1xf32>
    %get3A_596 = arith.constant 14 : index
    %get3A_597 = memref.load %arg0[%get3A_596] : memref<17xi32, #tpu.memory_space<smem>>
    %get3A_598 = arith.constant 13 : index
    %get3A_599 = memref.load %arg0[%get3A_598] : memref<17xi32, #tpu.memory_space<smem>>
    %sub3A_600 = arith.subi %get3A_597, %get3A_599 : i32
    %convert_element_type3A_601 = arith.sitofp %sub3A_600 : i32 to f32
    %div3A_602 = arith.divf %reduce_sum3A_595, %convert_element_type3A_601 : f32
    %sub3A_603 = arith.constant 1.000000e+00 : f32
    %sub3A_604 = arith.subf %sub3A_603, %div3A_602 : f32
    %div3A_605 = arith.constant 0.879999995 : f32
    %div3A_606 = arith.divf %div3A_605, %sub3A_604 : f32
    %eq3A_607 = arith.constant 13 : i32
    %eq3A_608 = vector.broadcast %eq3A_607 : i32 to vector<1x16384xi32>
    %eq3A_609 = arith.cmpi eq, %add3A_148, %eq3A_608 : vector<1x16384xi32>
    %broadcast_in_dim3A_610 = vector.broadcast %div3A_606 : f32 to vector<1x16384xf32>
    %select_n3A_611 = arith.select %eq3A_609, %broadcast_in_dim3A_610, %select_n3A_579 : vector<1x16384xi1>, vector<1x16384xf32>
    %mul3A_612 = vector.broadcast %div3A_606 : f32 to vector<64x1280xf32>
    %mul3A_613 = arith.mulf %select_n3A_170, %mul3A_612 : vector<64x1280xf32>
    %swap3A_614 = arith.constant 832 : index
    %swap3A_615 = arith.constant 0 : index
    %swap3A_616 = vector.load %arg3[%swap3A_614, %swap3A_615] : memref<1024x1280xf32, #tpu.memory_space<vmem>>, vector<64x1280xf32>
    tpu.vector_store %arg3[%swap3A_614, %swap3A_615], %mul3A_613 {strides = array<i32>} : memref<1024x1280xf32, #tpu.memory_space<vmem>>, vector<64x1280xf32>,
    %eq3A_617 = arith.constant 14 : i32
    %eq3A_618 = vector.broadcast %eq3A_617 : i32 to vector<1x16384xi32>
    %eq3A_619 = arith.cmpi eq, %add3A_148, %eq3A_618 : vector<1x16384xi32>
    %jit3A_620 = arith.constant 0.000000e+00 : f32
    %broadcast_in_dim3A_621 = vector.broadcast %jit3A_620 : f32 to vector<1x16384xf32>
    %select_n3A_622 = arith.select %eq3A_619, %select_n3A_160, %broadcast_in_dim3A_621 : vector<1x16384xi1>, vector<1x16384xf32>
    %reduce_sum3A_623 = vector.shape_cast %select_n3A_622 : vector<1x16384xf32> to vector<1x1x16384xf32>
    %reduce_sum3A_624 = arith.constant dense<0.000000e+00> : vector<1xf32>
    %reduce_sum3A_625 = vector.multi_reduction <add>, %reduce_sum3A_623, %reduce_sum3A_624 [1, 2] : vector<1x1x16384xf32> to vector<1xf32>
    %reduce_sum3A_626 = vector.shape_cast %reduce_sum3A_625 : vector<1xf32> to vector<1x1x1xf32>
    %reduce_sum3A_627 = vector.extract %reduce_sum3A_626[0, 0, 0] : f32 from vector<1x1x1xf32>
    %get3A_628 = arith.constant 15 : index
    %get3A_629 = memref.load %arg0[%get3A_628] : memref<17xi32, #tpu.memory_space<smem>>
    %get3A_630 = arith.constant 14 : index
    %get3A_631 = memref.load %arg0[%get3A_630] : memref<17xi32, #tpu.memory_space<smem>>
    %sub3A_632 = arith.subi %get3A_629, %get3A_631 : i32
    %convert_element_type3A_633 = arith.sitofp %sub3A_632 : i32 to f32
    %div3A_634 = arith.divf %reduce_sum3A_627, %convert_element_type3A_633 : f32
    %sub3A_635 = arith.constant 1.000000e+00 : f32
    %sub3A_636 = arith.subf %sub3A_635, %div3A_634 : f32
    %div3A_637 = arith.constant 0.879999995 : f32
    %div3A_638 = arith.divf %div3A_637, %sub3A_636 : f32
    %eq3A_639 = arith.constant 14 : i32
    %eq3A_640 = vector.broadcast %eq3A_639 : i32 to vector<1x16384xi32>
    %eq3A_641 = arith.cmpi eq, %add3A_148, %eq3A_640 : vector<1x16384xi32>
    %broadcast_in_dim3A_642 = vector.broadcast %div3A_638 : f32 to vector<1x16384xf32>
    %select_n3A_643 = arith.select %eq3A_641, %broadcast_in_dim3A_642, %select_n3A_611 : vector<1x16384xi1>, vector<1x16384xf32>
    %mul3A_644 = vector.broadcast %div3A_638 : f32 to vector<64x1280xf32>
    %mul3A_645 = arith.mulf %select_n3A_170, %mul3A_644 : vector<64x1280xf32>
    %swap3A_646 = arith.constant 896 : index
    %swap3A_647 = arith.constant 0 : index
    %swap3A_648 = vector.load %arg3[%swap3A_646, %swap3A_647] : memref<1024x1280xf32, #tpu.memory_space<vmem>>, vector<64x1280xf32>
    tpu.vector_store %arg3[%swap3A_646, %swap3A_647], %mul3A_645 {strides = array<i32>} : memref<1024x1280xf32, #tpu.memory_space<vmem>>, vector<64x1280xf32>,
    %eq3A_649 = arith.constant 15 : i32
    %eq3A_650 = vector.broadcast %eq3A_649 : i32 to vector<1x16384xi32>
    %eq3A_651 = arith.cmpi eq, %add3A_148, %eq3A_650 : vector<1x16384xi32>
    %jit3A_652 = arith.constant 0.000000e+00 : f32
    %broadcast_in_dim3A_653 = vector.broadcast %jit3A_652 : f32 to vector<1x16384xf32>
    %select_n3A_654 = arith.select %eq3A_651, %select_n3A_160, %broadcast_in_dim3A_653 : vector<1x16384xi1>, vector<1x16384xf32>
    %reduce_sum3A_655 = vector.shape_cast %select_n3A_654 : vector<1x16384xf32> to vector<1x1x16384xf32>
    %reduce_sum3A_656 = arith.constant dense<0.000000e+00> : vector<1xf32>
    %reduce_sum3A_657 = vector.multi_reduction <add>, %reduce_sum3A_655, %reduce_sum3A_656 [1, 2] : vector<1x1x16384xf32> to vector<1xf32>
    %reduce_sum3A_658 = vector.shape_cast %reduce_sum3A_657 : vector<1xf32> to vector<1x1x1xf32>
    %reduce_sum3A_659 = vector.extract %reduce_sum3A_658[0, 0, 0] : f32 from vector<1x1x1xf32>
    %get3A_660 = arith.constant 16 : index
    %get3A_661 = memref.load %arg0[%get3A_660] : memref<17xi32, #tpu.memory_space<smem>>
    %get3A_662 = arith.constant 15 : index
    %get3A_663 = memref.load %arg0[%get3A_662] : memref<17xi32, #tpu.memory_space<smem>>
    %sub3A_664 = arith.subi %get3A_661, %get3A_663 : i32
    %convert_element_type3A_665 = arith.sitofp %sub3A_664 : i32 to f32
    %div3A_666 = arith.divf %reduce_sum3A_659, %convert_element_type3A_665 : f32
    %sub3A_667 = arith.constant 1.000000e+00 : f32
    %sub3A_668 = arith.subf %sub3A_667, %div3A_666 : f32
    %div3A_669 = arith.constant 0.879999995 : f32
    %div3A_670 = arith.divf %div3A_669, %sub3A_668 : f32
    %eq3A_671 = arith.constant 15 : i32
    %eq3A_672 = vector.broadcast %eq3A_671 : i32 to vector<1x16384xi32>
    %eq3A_673 = arith.cmpi eq, %add3A_148, %eq3A_672 : vector<1x16384xi32>
    %broadcast_in_dim3A_674 = vector.broadcast %div3A_670 : f32 to vector<1x16384xf32>
    %select_n3A_675 = arith.select %eq3A_673, %broadcast_in_dim3A_674, %select_n3A_643 : vector<1x16384xi1>, vector<1x16384xf32>
    %mul3A_676 = vector.broadcast %div3A_670 : f32 to vector<64x1280xf32>
    %mul3A_677 = arith.mulf %select_n3A_170, %mul3A_676 : vector<64x1280xf32>
    %swap3A_678 = arith.constant 960 : index
    %swap3A_679 = arith.constant 0 : index
    %swap3A_680 = vector.load %arg3[%swap3A_678, %swap3A_679] : memref<1024x1280xf32, #tpu.memory_space<vmem>>, vector<64x1280xf32>
    tpu.vector_store %arg3[%swap3A_678, %swap3A_679], %mul3A_677 {strides = array<i32>} : memref<1024x1280xf32, #tpu.memory_space<vmem>>, vector<64x1280xf32>,
    %sub3A_681 = arith.constant 1.000000e+00 : f32
    %sub3A_682 = vector.broadcast %sub3A_681 : f32 to vector<1x16384xf32>
    %sub3A_683 = arith.subf %sub3A_682, %select_n3A_160 : vector<1x16384xf32>
    %mul3A_684 = arith.mulf %select_n3A_675, %sub3A_683 : vector<1x16384xf32>
    %swap3A_685 = arith.constant 0 : index
    %swap3A_686 = arith.constant 0 : index
    %swap3A_687 = vector.load %arg5[%swap3A_685, %swap3A_686] : memref<1x16384xf32, #tpu.memory_space<vmem>>, vector<1x16384xf32>
    tpu.vector_store %arg5[%swap3A_685, %swap3A_686], %mul3A_684 {strides = array<i32>} : memref<1x16384xf32, #tpu.memory_space<vmem>>, vector<1x16384xf32>,
    return
  }
}

</mosaic_0001>

<sc_bundles>
// kernel: kernel.5.cloned.1.call-start
scs
__scs_entry_jumppad:
0x0: {  	(pc) =	sbr.rel $0x88, $3  }
0x1: {  	(tag) =	ssettag $0x0;
	lr =	simm.s32 $0x1  }
0x2: {  	[smem:$0x3F9E] =	sst lr;
	_ =	strace $0xD0000000  }
0x3: {  	_ = 	snop  }
0x4: {  	_ = 	snop  }
0x5: {  	_ = 	snop  }
0x6: {  	_ = 	snop  }
0x7: {  	_ = 	snop  }
__scs_overlays_trampoline_lowered:
0x8: {  	[smem:$0x3FAD] =	sst s0  }
0x9: {  	[smem:$0x3FAE] =	sst s1  }
0xa: {  	[smem:$0x3FAF] =	sst s2  }
0xb: {  	[smem:$0x3FB0] =	sst s3  }
0xc: {  	[smem:$0x3FB1] =	sst s4  }
0xd: {  	[smem:$0x3FB2] =	sst s5  }
0xe: {  	[smem:$0x3FB3] =	sst s6  }
0xf: {  	[smem:$0x3FB4] =	sst s7  }
0x10: {  	[smem:$0x3FB5] =	sst s8  }
0x11: {  	[smem:$0x3FB6] =	sst s9;
	s0 =	simm.s32 @!p0 $0x0  }
0x12: {  	s1 =	sld [smem:$0x3F9C];
	s0 =	simm.s32 @p0 $0x1  }
0x13: {  	[smem:$0x3FB7] =	sst s0;
	s0 =	simm.s32 @!p1 $0x0  }
0x14: {  	s2 =	sld [smem:$0x3F9B];
	s0 =	simm.s32 @p1 $0x1  }
0x15: {  	[smem:$0x3FB8] =	sst s0;
	s0 =	simm.s32 @!p2 $0x0  }
0x16: {  	s3 =	sld [smem:$0x3FDB];
	s0 =	simm.s32 @p2 $0x1  }
0x17: {  	s4 =	simm.s32 $0x1BF5;
	[smem:$0x3FBA] =	sst s0  }
0x18: {  	s0 =	sld [smem:$0x3F9D];
	_ =	swait.ge [sflag:s4], $0x0  }
0x19: {  	s7 =	sld [smem:$0x3F9E]  }
0x1a: {  	s8 =	sadd.s32 $0xFFFFE003, lr  }
0x1b: {  	s9 =	sadd.s32 $0xFFFFFEF7, lr;
	s5 =	simm.s32 $0xFFFFFFFF;
	p2 =	slt.u32 s8, $0xFFFFF086  }
0x1c: {  	p1 =	slt.u32 s9, $0xF7A;
	s5 =	simm.s32 @!p2 $0x0  }
0x1d: {  	s5 =	simm.s32 @p1 $0x1;
	p0 =	seq.s32 s7, s2  }
0x1e: {  	s7 =	smul.u32 @!p0 $0xF7A, s2;
	p2 =	seq.s32 @!p0 s5, $0x0  }
0x1f: {  	s9 =	smul.u32 $0xF7A, s1;
	s8 =	simm.s32 @!p0 $0x1BF5;
	p2 =	por !p2, p0  }
0x20: {  	[sflag:s8] =	ssyncset.s32 @!p0 $0xFFFFF086;
	s6 =	sadd.s32 @!p0 s3, s7;
	s7 =	simm.s32 @!p0 $0x108  }
0x21: {  	s3 =	sadd.s32 s3, s9;
	s6 =	sadd.s32 @!p0 $0x88, s6;
	s7 =	simm.s32 @p2 $0x1082  }
0x22: {  	[simem:s7], [sflag:s8] =	dma.local @!p0 [hbm:s6], $0xF7A  }
0x23: {  	s9 =	sor.u32 $0xD0000000, s2;
	s6 =	simm.s32 $0x108;
	_ =	swait.ge @!p0 [sflag:s8], $0x0  }
0x24: {  	s3 =	sadd.s32 $0x88, s3;
	s6 =	simm.s32 @!p1 $0x1082;
	[sflag:s4] =	ssyncset.s32 $0xFFFFF086  }
0x25: {  	[simem:s6], [sflag:s4] =	dma.local [hbm:s3], $0xF7A  }
0x26: {  	[smem:$0x3F9E] =	sst s1;
	(tag) =	ssettag s2;
	_ =	strace s9  }
0x27: {  	s1 =	sld [smem:$0x3FAE]  }
0x28: {  	s2 =	sld [smem:$0x3FAF]  }
0x29: {  	s4 =	sld [smem:$0x3FB1]  }
0x2a: {  	p0 =	seq.s32 s5, $0x0;
	s5 =	sld [smem:$0x3FB2]  }
0x2b: {  	s6 =	sld [smem:$0x3FB3]  }
0x2c: {  	s7 =	sld [smem:$0x3FB4]  }
0x2d: {  	s3 =	simm.s32 $0x108;
	s8 =	sld [smem:$0x3FB5]  }
0x2e: {  	s3 =	simm.s32 @!p0 $0x1082;
	s9 =	sld [smem:$0x3FB6]  }
0x2f: {  	lr =	sadd.s32 s0, s3;
	s0 =	sld [smem:$0x3FAD]  }
0x30: {  	s3 =	sld [smem:$0x3FB0]  }
0x31: {  	[smem:$0x3FB9] =	sst s10  }
0x32: {  	s10 =	sld [smem:$0x3FB7];
	_ =	sdelay $0x3  }
0x33: {  	p0 =	seq.s32 s10, $0x1;
	s10 =	sld [smem:$0x3FB9];
	_ =	sdelay $0x3  }
0x34: {  	[smem:$0x3FB9] =	sst s10  }
0x35: {  	s10 =	sld [smem:$0x3FB8];
	_ =	sdelay $0x3  }
0x36: {  	p1 =	seq.s32 s10, $0x1;
	s10 =	sld [smem:$0x3FB9];
	_ =	sdelay $0x3  }
0x37: {  	[smem:$0x3FB9] =	sst s10  }
0x38: {  	s10 =	sld [smem:$0x3FBA]  }
0x39: {  	_ = 	snop;
	(pc) =	sbr.ind lr, $3  }
0x3a: {  	_ = 	snop  }
0x3b: {  	_ = 	snop  }
0x3c: {  	p2 =	seq.s32 s10, $0x1;
	s10 =	sld [smem:$0x3FB9]  }
0x3d: {  	_ =	shalt  }
0x3e: {  	_ =	shalt  }
0x3f: {  	_ =	shalt  }
0x40: {  	_ =	shalt  }
0x41: {  	_ =	shalt  }
0x42: {  	_ =	shalt  }
0x43: {  	_ =	shalt  }
0x44: {  	_ =	shalt  }
0x45: {  	_ =	shalt  }
0x46: {  	_ =	shalt  }
0x47: {  	_ =	shalt  }
0x48: {  	_ =	shalt  }
0x49: {  	_ =	shalt  }
0x4a: {  	_ =	shalt  }
0x4b: {  	_ =	shalt  }
0x4c: {  	_ =	shalt  }
0x4d: {  	_ =	shalt  }
0x4e: {  	_ =	shalt  }
0x4f: {  	_ =	shalt  }
0x50: {  	_ =	shalt  }
0x51: {  	_ =	shalt  }
0x52: {  	_ =	shalt  }
0x53: {  	_ =	shalt  }
0x54: {  	_ =	shalt  }
0x55: {  	_ =	shalt  }
0x56: {  	_ =	shalt  }
0x57: {  	_ =	shalt  }
0x58: {  	_ =	shalt  }
0x59: {  	_ =	shalt  }
0x5a: {  	_ =	shalt  }
0x5b: {  	_ =	shalt  }
0x5c: {  	_ =	shalt  }
0x5d: {  	_ =	shalt  }
0x5e: {  	_ =	shalt  }
0x5f: {  	_ =	shalt  }
0x60: {  	_ =	shalt  }
0x61: {  	_ =	shalt  }
0x62: {  	_ =	shalt  }
0x63: {  	_ =	shalt  }
0x64: {  	_ =	shalt  }
0x65: {  	_ =	shalt  }
0x66: {  	_ =	shalt  }
0x67: {  	_ =	shalt  }
0x68: {  	_ =	shalt  }
0x69: {  	_ =	shalt  }
0x6a: {  	_ =	shalt  }
0x6b: {  	_ =	shalt  }
0x6c: {  	_ =	shalt  }
0x6d: {  	_ =	shalt  }
0x6e: {  	_ =	shalt  }
0x6f: {  	_ =	shalt  }
0x70: {  	_ =	shalt  }
0x71: {  	_ =	shalt  }
0x72: {  	_ =	shalt  }
0x73: {  	_ =	shalt  }
0x74: {  	_ =	shalt  }
0x75: {  	_ =	shalt  }
0x76: {  	_ =	shalt  }
0x77: {  	_ =	shalt  }
0x78: {  	_ =	shalt  }
0x79: {  	_ =	shalt  }
0x7a: {  	_ =	shalt  }
0x7b: {  	_ =	shalt  }
0x7c: {  	_ =	shalt  }
0x7d: {  	_ =	shalt  }
0x7e: {  	_ =	shalt  }
0x7f: {  	_ =	shalt  }
0x80: {  	_ =	shalt  }
0x81: {  	_ =	shalt  }
0x82: {  	_ =	shalt  }
0x83: {  	_ =	shalt  }
0x84: {  	_ =	shalt  }
0x85: {  	_ =	shalt  }
0x86: {  	_ =	shalt  }
0x87: {  	_ =	shalt  }
.Lfunc_end0:
.L_simem_size_0:
called_computation_lowered:
.L_overlay_start_0:
0x88: {  	s2 =	sld [smem:$0x3FD9]  }
0x89: {  	s3 =	sld [smem:$0x3FFE];
	_ =	sdelay $0x1  }
0x8a: {  	s1 =	srdreg.scid  }
0x8b: {  	s0 =	sand.u32 $0x1, s1  }
0x8c: {  	s17 =	sshll.u32 s0, $0xA;
	s2 =	sadd.s32 s3, s2  }
0x8d: {  	s2 =	sadd.s32 s2, s17  }
0x8e: {  	[smem:$0x3FC5] =	sst s2  }
0x8f: {  	_ = 	snop  }
0x90: {  	s2 =	sld [smem:$0x3FD0];
	(tm) =	ssettm $0x1  }
0x91: {  	s18 =	sld [smem:$0x3FFB];
	_ =	sdelay $0x3  }
0x92: {  	_ =	strace s18  }
0x93: {  	s3 =	sld [smem:$0x3FFC];
	_ =	sdelay $0x3  }
0x94: {  	_ =	strace s3  }
0x95: {  	s3 =	sld [smem:$0x3FFD];
	_ =	sdelay $0x3  }
0x96: {  	_ =	strace s3  }
0x97: {  	_ =	strace $0x8FFFFFFF  }
0x98: {  	s19 =	sld [smem:$0x3FDB];
	_ =	sdelay $0x1  }
0x99: {  	s4 =	simm.s32 $_scs_section_size  }
0x9a: {  	s5 =	simm.s32 $_size__tile_overlayer_lowered;
	s6 =	simm.s32 $_tile_overlayer_lowered  }
0x9b: {  	s22 =	simm.s32 $0x1BFF;
	s21 =	sshll.u32 s6, $0x1;
	s3 =	sadd.s32 s4, s19  }
0x9c: {  	s7 =	simm.s32 $0x0;
	s20 =	sshll.u32 s5, $0x1;
	s5 =	sadd.s32 s21, s3  }
0x9d: {  	[timem:s7], [sflag:s22] =	dma.local [hbm:s5], s20  }
0x9e: {  	_ =	swait.ge [sflag:s22], s20  }
0x9f: {  	s4 =	ssub.s32 $0x0, s20;
	[sflag:s22] =	ssyncset.done $0x0  }
0xa0: {  	[sflag:s22] =	ssyncadd.s32 s4;
	_ =	sdelay $0x1  }
0xa1: {  	s23 =	simm.s32 $0x1B8B  }
0xa2: {  	_ =	swait.ge [sflag:s23], $0x1  }
0xa3: {  	[sflag:s23] =	ssyncset.done $0x0  }
0xa4: {  	s25 =	simm.s32 $0x1B8E;
	s24 =	sld [smem:$0x3FFE];
	[sflag:s23] =	ssyncadd.s32 $0xFFFFFFFF  }
0xa5: {  	s26 =	simm.s32 $execute0_lowered;
	[smem:$0x3FD2] =	sst s25  }
0xa6: {  	s5 =	sshll.u32 s26, $0x1;
	_ =	strace $0x80000046;
	[dreg:$0x1] =	wrdreg $0xFFFFFFFF  }
0xa7: {  	s28 =	simm.s32 $_size_execute0_lowered;
	s3 =	sadd.s32 s3, s5;
	[dreg:$0x0] =	wrdreg $0x0  }
0xa8: {  	s5 =	sshll.u32 s28, $0x1;
	[dreg:$0x2] =	wrdreg s3  }
0xa9: {  	[dreg:$0x3] =	wrdreg s5  }
0xaa: {  	[dreg:$0x4] =	wrdreg $0xC0  }
0xab: {  	_ =	task [dreg:s7], $0x5FFFF  }
0xac: {  	[dreg:$0x1] =	wrdreg $0xFFFFFFFF  }
0xad: {  	[dreg:$0x0] =	wrdreg $0x60  }
0xae: {  	[dreg:$0x2] =	wrdreg s24  }
0xaf: {  	[dreg:$0x3] =	wrdreg s2  }
0xb0: {  	[dreg:$0x4] =	wrdreg $0x9  }
0xb1: {  	_ =	task.clear_ibuf [dreg:s7], $0x5FFFF;
	_ =	strace $0x90000046  }
0xb2: {  	s29 =	simm.s32 $0x9;
	_ =	strace $0x80000048  }
0xb3: {  	_ =	swait.ge [sflag:s29], $0x1  }
0xb4: {  	[sflag:s29] =	ssyncadd.s32 $0xFFFFFFFF  }
0xb5: {  	_ =	strace $0x90000048  }
0xb6: {  	_ =	sfence  }
0xb7: {  	s30 =	sld [smem:$0x0];
	_ =	sdelay $0x2  }
0xb8: {  	s31 =	sshll.u32 s1, $0xD;
	s1 =	sshrl.u32 s1, $0x2  }
0xb9: {  	s3 =	sand.u32 $0x4000, s31;
	s1 =	sadd.s32 s1, s30  }
0xba: {  	s0 =	sor.u32 s3, s0;
	s1 =	sshll.u32 s1, $0x11  }
0xbb: {  	s0 =	sor.u32 s1, s0  }
0xbc: {  	s0 =	sadd.s32 $0x8F2B, s0  }
0xbd: {  	[sflag:s0] =	ssyncadd.remote.s32 $0x1  }
0xbe: {  	_ =	sfence.sel $0xFFFF  }
0xbf: {  	[dreg:$0x0] =	wrdreg $0xFFFFFFFF;
	(pc) =	sbr.abs _section_cstart, $3  }
0xc0: {  	[dreg:$0x1] =	wrdreg $0xFFFFFFFF  }
0xc1: {  	_ =	task.clear_ibuf [dreg:s7], $0x2FFFF;
	_ =	strace $0x9FFFFFFF  }
0xc2: {  	(tm) =	ssettm $0x7FFFFFFF  }
0xc3: {  	_ =	shalt  }
tec
execute0_lowered:
.L_overlay_start_1:
0x0: {  	(tag) =	ssettag $0x1  }
0x1: {  	s0 =	srdreg.scid;
	s1 =	rddreg [dreg:$0x0]  }
0x2: {  	s2 =	stileid.u32;
	s4 =	rddreg [dreg:$0x1];
	s14 =	simm.s32 $0x1  }
0x3: {  	s31 =	simm.s32 $0x2;
	s10 =	simm.s32 $0x5;
	s15 =	simm.s32 $0x15100  }
0x4: {  	s16 =	simm.s32 $0x15900;
	s17 =	simm.s32 $0x16100;
	s18 =	simm.s32 $0x16900  }
0x5: {  	s19 =	simm.s32 $0x17100;
	s28 =	simm.s32 $0x1B100;
	s0 =	sand.u32 $0x1, s0  }
0x6: {  	s5 =	sshll.u32 s2, $0x5;
	s2 =	simm.s32 $0x0;
	s3 =	sshll.u32 s0, $0x9  }
0x7: {  	s29 =	simm.s32 $0x1B900;
	[smem:$0x7FF] =	sst s2;
	s3 =	sor.u32 s5, s3  }
0x8: {  	s0 =	ssub.s32 $0x2, s0;
	_ =	strace $0x80000047;
	s5 =	smul.u32 $0x500, s3  }
0x9: {  	s22 =	sshrl.u32 s0, $0x1;
	s6 =	smul.u32 $0x2800, s3;
	s7 =	sadd.s32 s3, s1  }
0xa: {  	s3 =	sadd.s32 $0x1000, s1;
	s0 =	ssub.s32 s0, s22;
	s7 =	sadd.s32 $0x29000, s7  }
0xb: {  	s8 =	sadd.s32 s4, s5;
	s20 =	sshrl.u32 s6, $0x3;
	[dreg:$0x3] =	wrdreg s7  }
0xc: {  	[dreg:$0xb] =	wrdreg s8;
	s21 =	sadd.s32 $0x1400, s8;
	s4 =	sadd.s32 s4, s20  }
0xd: {  	s22 =	simm.s32 $0x18900;
	[dreg:$0x4] =	wrdreg s21;
	s23 =	sadd.s32 $0x2800, s4  }
0xe: {  	s5 =	sadd.s32 $0x1100, s1;
	s24 =	sadd.s32 $0x3C00, s4;
	[dreg:$0x5] =	wrdreg s23  }
0xf: {  	s6 =	sadd.s32 $0x1200, s1;
	s25 =	sadd.s32 $0x5000, s4;
	[dreg:$0x6] =	wrdreg s24  }
0x10: {  	s7 =	sadd.s32 $0x1300, s1;
	s26 =	sadd.s32 $0x6400, s4;
	[dreg:$0x7] =	wrdreg s25  }
0x11: {  	s8 =	sadd.s32 $0x1400, s1;
	s9 =	sadd.s32 $0x7800, s4;
	[dreg:$0x8] =	wrdreg s26  }
0x12: {  	s1 =	simm.s32 $0x100;
	s30 =	sadd.s32 $0x8C00, s4;
	[dreg:$0x9] =	wrdreg s9  }
0x13: {  	v2 =	vlaneseq.u32;
	s20 =	simm.s32 $0x17900;
	s21 =	simm.s32 $0x18100;
	[dreg:$0xa] =	wrdreg s30  }
0x14: {  	vm0 =	vmmov $0xffff;
	v1 =	vshrl.u32 v2, $0x3;
	s9 =	smax.u32 s0, $0x1;
	s0 =	simm.s32 $0x4;
	s23 =	simm.s32 $0x19100  }
0x15: {  	v0 =	vand.u32 $0x7, v2;
	v2 =	vor.u32 $0x8, v2;
	v1 =	vmul.u32 $0x8, v1;
	s24 =	simm.s32 $0x19900;
	s25 =	simm.s32 $0x1A100;
	s26 =	simm.s32 $0x1A900  }
.LBB2_1:
0x16: {  	s13 =	rddreg [dreg:$0x3];
	s12 =	simm.s32 $0x7  }
0x17: {  	[tilespmem:s2], [sflag:$0x7] =	stream.linear.gather [hbm4b:s13+s2], $0x100, $0x38;
	[tilespmem:$0x1E100] =	vst v63  }
0x18: {  	_ =	swait.ge [sflag:s12], $0x100  }
0x19: {  	[sflag:s12] =	ssyncset.done $0x0  }
0x1a: {  	[sflag:s12] =	ssyncadd.s32 $0xFFFFFF00  }
0x1b: {  	v3 =	vld [tilespmem:$0x0];
	_ =	sdelay $0x4  }
0x1c: {  	v4 =	vshrl.u32 v3, $0x3  }
0x1d: {  	v4 =	vmul.u32 $0x50, v4  }
0x1e: {  	v3 =	vand.u32 $0x7, v3  }
0x1f: {  	v3 =	vor.u32 v3, v4  }
0x20: {  	v4 =	vperm.xlane v3, v0;
	_ =	sdelay $0x1  }
0x21: {  	v4 =	vadd.s32 v1, v4;
	_ =	sdelay $0x4  }
0x22: {  	[tilespmem:s1], [sflag:$0x1] =	stream.indirect_vreg.gather [hbm4b:s3+s2], $0x80, v4, vm0, $0xb8;
	[tilespmem:$0x1E100] =	vst v63  }
0x23: {  	s4 =	simm.s32 $0x900  }
0x24: {  	[tilespmem:s4], [sflag:$0x1] =	stream.indirect_vreg.gather [hbm4b:s5+s2], $0x80, v4, vm0, $0xb8;
	[tilespmem:$0x1E100] =	vst v63  }
0x25: {  	s30 =	simm.s32 $0x1100;
	v3 =	vperm.xlane v3, v2  }
0x26: {  	[tilespmem:s30], [sflag:$0x1] =	stream.indirect_vreg.gather [hbm4b:s6+s2], $0x80, v4, vm0, $0xb8;
	[tilespmem:$0x1E100] =	vst v63  }
0x27: {  	s11 =	simm.s32 $0x1900;
	v3 =	vadd.s32 v1, v3  }
0x28: {  	[tilespmem:s11], [sflag:$0x1] =	stream.indirect_vreg.gather [hbm4b:s7+s2], $0x80, v4, vm0, $0xb8;
	[tilespmem:$0x1E100] =	vst v63  }
0x29: {  	s13 =	simm.s32 $0x2100  }
0x2a: {  	[tilespmem:s13], [sflag:$0x1] =	stream.indirect_vreg.gather [hbm4b:s8+s2], $0x80, v4, vm0, $0xb8;
	[tilespmem:$0x1E100] =	vst v63  }
0x2b: {  	s11 =	simm.s32 $0x2900  }
0x2c: {  	[tilespmem:s11], [sflag:$0x1] =	stream.indirect_vreg.gather [hbm4b:s3+s2], $0x80, v3, vm0, $0xb8;
	[tilespmem:$0x1E100] =	vst v63  }
0x2d: {  	s13 =	simm.s32 $0x3100  }
0x2e: {  	[tilespmem:s13], [sflag:$0x1] =	stream.indirect_vreg.gather [hbm4b:s5+s2], $0x80, v3, vm0, $0xb8;
	[tilespmem:$0x1E100] =	vst v63  }
0x2f: {  	s11 =	simm.s32 $0x3900  }
0x30: {  	[tilespmem:s11], [sflag:$0x1] =	stream.indirect_vreg.gather [hbm4b:s6+s2], $0x80, v3, vm0, $0xb8;
	[tilespmem:$0x1E100] =	vst v63  }
0x31: {  	s13 =	simm.s32 $0x4100  }
0x32: {  	[tilespmem:s13], [sflag:$0x1] =	stream.indirect_vreg.gather [hbm4b:s7+s2], $0x80, v3, vm0, $0xb8;
	[tilespmem:$0x1E100] =	vst v63  }
0x33: {  	s11 =	simm.s32 $0x4900  }
0x34: {  	[tilespmem:s11], [sflag:$0x1] =	stream.indirect_vreg.gather [hbm4b:s8+s2], $0x80, v3, vm0, $0xb8;
	[tilespmem:$0x1E100] =	vst v63  }
0x35: {  	v3 =	vld [tilespmem:$0x10];
	_ =	sdelay $0x4  }
0x36: {  	v49 =	vshrl.u32 v3, $0x3  }
0x37: {  	v4 =	vmul.u32 $0x50, v49  }
0x38: {  	v3 =	vand.u32 $0x7, v3  }
0x39: {  	v3 =	vor.u32 v3, v4  }
0x3a: {  	v4 =	vperm.xlane v3, v0;
	_ =	sdelay $0x1  }
0x3b: {  	v4 =	vadd.s32 v1, v4;
	_ =	sdelay $0x3  }
0x3c: {  	s13 =	simm.s32 $0x5100  }
0x3d: {  	[tilespmem:s13], [sflag:$0x1] =	stream.indirect_vreg.gather [hbm4b:s3+s2], $0x80, v4, vm0, $0xb8;
	[tilespmem:$0x1E100] =	vst v63  }
0x3e: {  	s11 =	simm.s32 $0x5900  }
0x3f: {  	[tilespmem:s11], [sflag:$0x1] =	stream.indirect_vreg.gather [hbm4b:s5+s2], $0x80, v4, vm0, $0xb8;
	[tilespmem:$0x1E100] =	vst v63  }
0x40: {  	v3 =	vperm.xlane v3, v2;
	s13 =	simm.s32 $0x6100  }
0x41: {  	[tilespmem:s13], [sflag:$0x1] =	stream.indirect_vreg.gather [hbm4b:s6+s2], $0x80, v4, vm0, $0xb8;
	[tilespmem:$0x1E100] =	vst v63  }
0x42: {  	v3 =	vadd.s32 v1, v3;
	s11 =	simm.s32 $0x6900  }
0x43: {  	[tilespmem:s11], [sflag:$0x1] =	stream.indirect_vreg.gather [hbm4b:s7+s2], $0x80, v4, vm0, $0xb8;
	[tilespmem:$0x1E100] =	vst v63  }
0x44: {  	s13 =	simm.s32 $0x7100  }
0x45: {  	[tilespmem:s13], [sflag:$0x1] =	stream.indirect_vreg.gather [hbm4b:s8+s2], $0x80, v4, vm0, $0xb8;
	[tilespmem:$0x1E100] =	vst v63  }
0x46: {  	s11 =	simm.s32 $0x7900  }
0x47: {  	[tilespmem:s11], [sflag:$0x1] =	stream.indirect_vreg.gather [hbm4b:s3+s2], $0x80, v3, vm0, $0xb8;
	[tilespmem:$0x1E100] =	vst v63  }
0x48: {  	s13 =	simm.s32 $0x8100  }
0x49: {  	[tilespmem:s13], [sflag:$0x1] =	stream.indirect_vreg.gather [hbm4b:s5+s2], $0x80, v3, vm0, $0xb8;
	[tilespmem:$0x1E100] =	vst v63  }
0x4a: {  	s11 =	simm.s32 $0x8900  }
0x4b: {  	[tilespmem:s11], [sflag:$0x1] =	stream.indirect_vreg.gather [hbm4b:s6+s2], $0x80, v3, vm0, $0xb8;
	[tilespmem:$0x1E100] =	vst v63  }
0x4c: {  	s13 =	simm.s32 $0x9100  }
0x4d: {  	[tilespmem:s13], [sflag:$0x1] =	stream.indirect_vreg.gather [hbm4b:s7+s2], $0x80, v3, vm0, $0xb8;
	[tilespmem:$0x1E100] =	vst v63  }
0x4e: {  	s11 =	simm.s32 $0x9900  }
0x4f: {  	[tilespmem:s11], [sflag:$0x1] =	stream.indirect_vreg.gather [hbm4b:s8+s2], $0x80, v3, vm0, $0xb8;
	[tilespmem:$0x1E100] =	vst v63  }
0x50: {  	v3 =	vld [tilespmem:$0x20];
	_ =	sdelay $0x4  }
0x51: {  	v50 =	vshrl.u32 v3, $0x3  }
0x52: {  	v4 =	vmul.u32 $0x50, v50  }
0x53: {  	v3 =	vand.u32 $0x7, v3  }
0x54: {  	v3 =	vor.u32 v3, v4  }
0x55: {  	v4 =	vperm.xlane v3, v0;
	_ =	sdelay $0x1  }
0x56: {  	v4 =	vadd.s32 v1, v4;
	_ =	sdelay $0x3  }
0x57: {  	s4 =	simm.s32 $0xA100  }
0x58: {  	[tilespmem:s4], [sflag:$0x2] =	stream.indirect_vreg.gather [hbm4b:s3+s2], $0x80, v4, vm0, $0xb8;
	[tilespmem:$0x1E100] =	vst v63  }
0x59: {  	s11 =	simm.s32 $0xA900  }
0x5a: {  	[tilespmem:s11], [sflag:$0x2] =	stream.indirect_vreg.gather [hbm4b:s5+s2], $0x80, v4, vm0, $0xb8;
	[tilespmem:$0x1E100] =	vst v63  }
0x5b: {  	s13 =	simm.s32 $0xB100;
	v3 =	vperm.xlane v3, v2  }
0x5c: {  	[tilespmem:s13], [sflag:$0x2] =	stream.indirect_vreg.gather [hbm4b:s6+s2], $0x80, v4, vm0, $0xb8;
	[tilespmem:$0x1E100] =	vst v63  }
0x5d: {  	v3 =	vadd.s32 v1, v3;
	s13 =	simm.s32 $0xB900  }
0x5e: {  	[tilespmem:s13], [sflag:$0x2] =	stream.indirect_vreg.gather [hbm4b:s7+s2], $0x80, v4, vm0, $0xb8;
	[tilespmem:$0x1E100] =	vst v63  }
0x5f: {  	s13 =	simm.s32 $0xC100  }
0x60: {  	[tilespmem:s13], [sflag:$0x2] =	stream.indirect_vreg.gather [hbm4b:s8+s2], $0x80, v4, vm0, $0xb8;
	[tilespmem:$0x1E100] =	vst v63  }
0x61: {  	s13 =	simm.s32 $0xC900  }
0x62: {  	[tilespmem:s13], [sflag:$0x2] =	stream.indirect_vreg.gather [hbm4b:s3+s2], $0x80, v3, vm0, $0xb8;
	[tilespmem:$0x1E100] =	vst v63  }
0x63: {  	s13 =	simm.s32 $0xD100  }
0x64: {  	[tilespmem:s13], [sflag:$0x2] =	stream.indirect_vreg.gather [hbm4b:s5+s2], $0x80, v3, vm0, $0xb8;
	[tilespmem:$0x1E100] =	vst v63  }
0x65: {  	s13 =	simm.s32 $0xD900  }
0x66: {  	[tilespmem:s13], [sflag:$0x2] =	stream.indirect_vreg.gather [hbm4b:s6+s2], $0x80, v3, vm0, $0xb8;
	[tilespmem:$0x1E100] =	vst v63  }
0x67: {  	s13 =	simm.s32 $0xE100  }
0x68: {  	[tilespmem:s13], [sflag:$0x2] =	stream.indirect_vreg.gather [hbm4b:s7+s2], $0x80, v3, vm0, $0xb8;
	[tilespmem:$0x1E100] =	vst v63  }
0x69: {  	s13 =	simm.s32 $0xE900  }
0x6a: {  	[tilespmem:s13], [sflag:$0x2] =	stream.indirect_vreg.gather [hbm4b:s8+s2], $0x80, v3, vm0, $0xb8;
	[tilespmem:$0x1E100] =	vst v63  }
0x6b: {  	v3 =	vld [tilespmem:$0x30];
	_ =	sdelay $0x4  }
0x6c: {  	v51 =	vshrl.u32 v3, $0x3  }
0x6d: {  	v4 =	vmul.u32 $0x50, v51  }
0x6e: {  	v3 =	vand.u32 $0x7, v3  }
0x6f: {  	v3 =	vor.u32 v3, v4  }
0x70: {  	v4 =	vperm.xlane v3, v0;
	_ =	sdelay $0x1  }
0x71: {  	v4 =	vadd.s32 v1, v4;
	_ =	sdelay $0x3  }
0x72: {  	s13 =	simm.s32 $0xF100  }
0x73: {  	[tilespmem:s13], [sflag:$0x2] =	stream.indirect_vreg.gather [hbm4b:s3+s2], $0x80, v4, vm0, $0xb8;
	[tilespmem:$0x1E100] =	vst v63  }
0x74: {  	s13 =	simm.s32 $0xF900  }
0x75: {  	[tilespmem:s13], [sflag:$0x2] =	stream.indirect_vreg.gather [hbm4b:s5+s2], $0x80, v4, vm0, $0xb8;
	[tilespmem:$0x1E100] =	vst v63  }
0x76: {  	v3 =	vperm.xlane v3, v2;
	s13 =	simm.s32 $0x10100  }
0x77: {  	[tilespmem:s13], [sflag:$0x2] =	stream.indirect_vreg.gather [hbm4b:s6+s2], $0x80, v4, vm0, $0xb8;
	[tilespmem:$0x1E100] =	vst v63  }
0x78: {  	v3 =	vadd.s32 v1, v3;
	s13 =	simm.s32 $0x10900  }
0x79: {  	[tilespmem:s13], [sflag:$0x2] =	stream.indirect_vreg.gather [hbm4b:s7+s2], $0x80, v4, vm0, $0xb8;
	[tilespmem:$0x1E100] =	vst v63  }
0x7a: {  	s13 =	simm.s32 $0x11100  }
0x7b: {  	[tilespmem:s13], [sflag:$0x2] =	stream.indirect_vreg.gather [hbm4b:s8+s2], $0x80, v4, vm0, $0xb8;
	[tilespmem:$0x1E100] =	vst v63  }
0x7c: {  	s13 =	simm.s32 $0x11900  }
0x7d: {  	[tilespmem:s13], [sflag:$0x2] =	stream.indirect_vreg.gather [hbm4b:s3+s2], $0x80, v3, vm0, $0xb8;
	[tilespmem:$0x1E100] =	vst v63  }
0x7e: {  	s13 =	simm.s32 $0x12100  }
0x7f: {  	[tilespmem:s13], [sflag:$0x2] =	stream.indirect_vreg.gather [hbm4b:s5+s2], $0x80, v3, vm0, $0xb8;
	[tilespmem:$0x1E100] =	vst v63  }
0x80: {  	s13 =	simm.s32 $0x12900  }
0x81: {  	[tilespmem:s13], [sflag:$0x2] =	stream.indirect_vreg.gather [hbm4b:s6+s2], $0x80, v3, vm0, $0xb8;
	[tilespmem:$0x1E100] =	vst v63  }
0x82: {  	s13 =	simm.s32 $0x13100  }
0x83: {  	[tilespmem:s13], [sflag:$0x2] =	stream.indirect_vreg.gather [hbm4b:s7+s2], $0x80, v3, vm0, $0xb8;
	[tilespmem:$0x1E100] =	vst v63  }
0x84: {  	s13 =	simm.s32 $0x13900  }
0x85: {  	[tilespmem:s13], [sflag:$0x2] =	stream.indirect_vreg.gather [hbm4b:s8+s2], $0x80, v3, vm0, $0xb8;
	[tilespmem:$0x1E100] =	vst v63  }
0x86: {  	v3 =	vld [tilespmem:$0x40];
	_ =	sdelay $0x4  }
0x87: {  	v52 =	vshrl.u32 v3, $0x3  }
0x88: {  	v4 =	vmul.u32 $0x50, v52  }
0x89: {  	v3 =	vand.u32 $0x7, v3  }
0x8a: {  	v3 =	vor.u32 v3, v4  }
0x8b: {  	v4 =	vperm.xlane v3, v0;
	_ =	sdelay $0x1  }
0x8c: {  	v4 =	vadd.s32 v1, v4;
	_ =	sdelay $0x3  }
0x8d: {  	s11 =	simm.s32 $0x14100  }
0x8e: {  	[tilespmem:s11], [sflag:$0x3] =	stream.indirect_vreg.gather [hbm4b:s3+s2], $0x80, v4, vm0, $0xb8;
	[tilespmem:$0x1E100] =	vst v63  }
0x8f: {  	s13 =	simm.s32 $0x14900  }
0x90: {  	[tilespmem:s13], [sflag:$0x3] =	stream.indirect_vreg.gather [hbm4b:s5+s2], $0x80, v4, vm0, $0xb8;
	[tilespmem:$0x1E100] =	vst v63  }
0x91: {  	v3 =	vperm.xlane v3, v2  }
0x92: {  	[tilespmem:s15], [sflag:$0x3] =	stream.indirect_vreg.gather [hbm4b:s6+s2], $0x80, v4, vm0, $0xb8;
	[tilespmem:$0x1E100] =	vst v63  }
0x93: {  	v3 =	vadd.s32 v1, v3  }
0x94: {  	[tilespmem:s16], [sflag:$0x3] =	stream.indirect_vreg.gather [hbm4b:s7+s2], $0x80, v4, vm0, $0xb8;
	[tilespmem:$0x1E100] =	vst v63  }
0x95: {  	_ = 	snop  }
0x96: {  	[tilespmem:s17], [sflag:$0x3] =	stream.indirect_vreg.gather [hbm4b:s8+s2], $0x80, v4, vm0, $0xb8;
	[tilespmem:$0x1E100] =	vst v63  }
0x97: {  	_ = 	snop  }
0x98: {  	[tilespmem:s18], [sflag:$0x3] =	stream.indirect_vreg.gather [hbm4b:s3+s2], $0x80, v3, vm0, $0xb8;
	[tilespmem:$0x1E100] =	vst v63  }
0x99: {  	_ = 	snop  }
0x9a: {  	[tilespmem:s19], [sflag:$0x3] =	stream.indirect_vreg.gather [hbm4b:s5+s2], $0x80, v3, vm0, $0xb8;
	[tilespmem:$0x1E100] =	vst v63  }
0x9b: {  	_ = 	snop  }
0x9c: {  	[tilespmem:s20], [sflag:$0x3] =	stream.indirect_vreg.gather [hbm4b:s6+s2], $0x80, v3, vm0, $0xb8;
	[tilespmem:$0x1E100] =	vst v63  }
0x9d: {  	_ = 	snop  }
0x9e: {  	[tilespmem:s21], [sflag:$0x3] =	stream.indirect_vreg.gather [hbm4b:s7+s2], $0x80, v3, vm0, $0xb8;
	[tilespmem:$0x1E100] =	vst v63  }
0x9f: {  	_ = 	snop  }
0xa0: {  	[tilespmem:s22], [sflag:$0x3] =	stream.indirect_vreg.gather [hbm4b:s8+s2], $0x80, v3, vm0, $0xb8;
	[tilespmem:$0x1E100] =	vst v63  }
0xa1: {  	v3 =	vld [tilespmem:$0x50];
	_ =	sdelay $0x4  }
0xa2: {  	v53 =	vshrl.u32 v3, $0x3  }
0xa3: {  	v4 =	vmul.u32 $0x50, v53  }
0xa4: {  	v3 =	vand.u32 $0x7, v3  }
0xa5: {  	v3 =	vor.u32 v3, v4  }
0xa6: {  	v4 =	vperm.xlane v3, v0;
	_ =	sdelay $0x1  }
0xa7: {  	v4 =	vadd.s32 v1, v4;
	_ =	sdelay $0x4  }
0xa8: {  	[tilespmem:s23], [sflag:$0x3] =	stream.indirect_vreg.gather [hbm4b:s3+s2], $0x80, v4, vm0, $0xb8;
	[tilespmem:$0x1E100] =	vst v63  }
0xa9: {  	_ = 	snop  }
0xaa: {  	[tilespmem:s24], [sflag:$0x3] =	stream.indirect_vreg.gather [hbm4b:s5+s2], $0x80, v4, vm0, $0xb8;
	[tilespmem:$0x1E100] =	vst v63  }
0xab: {  	v3 =	vperm.xlane v3, v2  }
0xac: {  	[tilespmem:s25], [sflag:$0x3] =	stream.indirect_vreg.gather [hbm4b:s6+s2], $0x80, v4, vm0, $0xb8;
	[tilespmem:$0x1E100] =	vst v63  }
0xad: {  	v3 =	vadd.s32 v1, v3  }
0xae: {  	[tilespmem:s26], [sflag:$0x3] =	stream.indirect_vreg.gather [hbm4b:s7+s2], $0x80, v4, vm0, $0xb8;
	[tilespmem:$0x1E100] =	vst v63  }
0xaf: {  	_ = 	snop  }
0xb0: {  	[tilespmem:s28], [sflag:$0x3] =	stream.indirect_vreg.gather [hbm4b:s8+s2], $0x80, v4, vm0, $0xb8;
	[tilespmem:$0x1E100] =	vst v63  }
0xb1: {  	_ = 	snop  }
0xb2: {  	[tilespmem:s29], [sflag:$0x3] =	stream.indirect_vreg.gather [hbm4b:s3+s2], $0x80, v3, vm0, $0xb8;
	[tilespmem:$0x1E100] =	vst v63  }
0xb3: {  	s13 =	simm.s32 $0x1C100  }
0xb4: {  	[tilespmem:s13], [sflag:$0x3] =	stream.indirect_vreg.gather [hbm4b:s5+s2], $0x80, v3, vm0, $0xb8;
	[tilespmem:$0x1E100] =	vst v63  }
0xb5: {  	s13 =	simm.s32 $0x1C900  }
0xb6: {  	[tilespmem:s13], [sflag:$0x3] =	stream.indirect_vreg.gather [hbm4b:s6+s2], $0x80, v3, vm0, $0xb8;
	[tilespmem:$0x1E100] =	vst v63  }
0xb7: {  	s13 =	simm.s32 $0x1D100  }
0xb8: {  	[tilespmem:s13], [sflag:$0x3] =	stream.indirect_vreg.gather [hbm4b:s7+s2], $0x80, v3, vm0, $0xb8;
	[tilespmem:$0x1E100] =	vst v63  }
0xb9: {  	s13 =	simm.s32 $0x1D900  }
0xba: {  	[tilespmem:s13], [sflag:$0x3] =	stream.indirect_vreg.gather [hbm4b:s8+s2], $0x80, v3, vm0, $0xb8;
	[tilespmem:$0x1E100] =	vst v63  }
0xbb: {  	_ =	swait.ge [sflag:s14], $0xA000  }
0xbc: {  	[sflag:s14] =	ssyncset.done $0x0  }
0xbd: {  	s13 =	rddreg [dreg:$0xb];
	[sflag:s14] =	ssyncadd.s32 $0xFFFF6000  }
0xbe: {  	[hbm4b:s13+s2] =	stream.linear.scatter [tilespmem:s1], [sflag:$0x4], $0xA000, $0x38;
	[tilespmem:$0x1E100] =	vst v63  }
0xbf: {  	_ =	swait.ge [sflag:s31], $0xA000  }
0xc0: {  	[sflag:s31] =	ssyncset.done $0x0  }
0xc1: {  	s13 =	rddreg [dreg:$0x4];
	[sflag:s31] =	ssyncadd.s32 $0xFFFF6000  }
0xc2: {  	[hbm4b:s13+s2] =	stream.linear.scatter [tilespmem:s4], [sflag:$0x5], $0xA000, $0x38;
	[tilespmem:$0x1E100] =	vst v63  }
0xc3: {  	_ =	swait.ge [sflag:s0], $0xA000  }
0xc4: {  	[sflag:s0] =	ssyncset.done $0x0  }
0xc5: {  	[sflag:s0] =	ssyncadd.s32 $0xFFFF6000  }
0xc6: {  	v3 =	vld [tilespmem:$0x60];
	_ =	sdelay $0x4  }
0xc7: {  	v54 =	vshrl.u32 v3, $0x3  }
0xc8: {  	v4 =	vmul.u32 $0x50, v54  }
0xc9: {  	v3 =	vand.u32 $0x7, v3  }
0xca: {  	v3 =	vor.u32 v3, v4  }
0xcb: {  	v4 =	vperm.xlane v3, v0;
	_ =	sdelay $0x1  }
0xcc: {  	v4 =	vadd.s32 v1, v4;
	_ =	sdelay $0x4  }
0xcd: {  	[tilespmem:s1], [sflag:$0x1] =	stream.indirect_vreg.gather [hbm4b:s3+s2], $0x80, v4, vm0, $0xb8;
	[tilespmem:$0x1E100] =	vst v63  }
0xce: {  	s12 =	simm.s32 $0x900  }
0xcf: {  	[tilespmem:s12], [sflag:$0x1] =	stream.indirect_vreg.gather [hbm4b:s5+s2], $0x80, v4, vm0, $0xb8;
	[tilespmem:$0x1E100] =	vst v63  }
0xd0: {  	s30 =	simm.s32 $0x1100;
	v3 =	vperm.xlane v3, v2  }
0xd1: {  	[tilespmem:s30], [sflag:$0x1] =	stream.indirect_vreg.gather [hbm4b:s6+s2], $0x80, v4, vm0, $0xb8;
	[tilespmem:$0x1E100] =	vst v63  }
0xd2: {  	v3 =	vadd.s32 v1, v3;
	s30 =	simm.s32 $0x1900  }
0xd3: {  	[tilespmem:s30], [sflag:$0x1] =	stream.indirect_vreg.gather [hbm4b:s7+s2], $0x80, v4, vm0, $0xb8;
	[tilespmem:$0x1E100] =	vst v63  }
0xd4: {  	s13 =	simm.s32 $0x2100  }
0xd5: {  	[tilespmem:s13], [sflag:$0x1] =	stream.indirect_vreg.gather [hbm4b:s8+s2], $0x80, v4, vm0, $0xb8;
	[tilespmem:$0x1E100] =	vst v63  }
0xd6: {  	s30 =	simm.s32 $0x2900  }
0xd7: {  	[tilespmem:s30], [sflag:$0x1] =	stream.indirect_vreg.gather [hbm4b:s3+s2], $0x80, v3, vm0, $0xb8;
	[tilespmem:$0x1E100] =	vst v63  }
0xd8: {  	s13 =	simm.s32 $0x3100  }
0xd9: {  	[tilespmem:s13], [sflag:$0x1] =	stream.indirect_vreg.gather [hbm4b:s5+s2], $0x80, v3, vm0, $0xb8;
	[tilespmem:$0x1E100] =	vst v63  }
0xda: {  	s30 =	simm.s32 $0x3900  }
0xdb: {  	[tilespmem:s30], [sflag:$0x1] =	stream.indirect_vreg.gather [hbm4b:s6+s2], $0x80, v3, vm0, $0xb8;
	[tilespmem:$0x1E100] =	vst v63  }
0xdc: {  	s13 =	simm.s32 $0x4100  }
0xdd: {  	[tilespmem:s13], [sflag:$0x1] =	stream.indirect_vreg.gather [hbm4b:s7+s2], $0x80, v3, vm0, $0xb8;
	[tilespmem:$0x1E100] =	vst v63  }
0xde: {  	s30 =	simm.s32 $0x4900  }
0xdf: {  	[tilespmem:s30], [sflag:$0x1] =	stream.indirect_vreg.gather [hbm4b:s8+s2], $0x80, v3, vm0, $0xb8;
	[tilespmem:$0x1E100] =	vst v63  }
0xe0: {  	v3 =	vld [tilespmem:$0x70];
	_ =	sdelay $0x4  }
0xe1: {  	v55 =	vshrl.u32 v3, $0x3  }
0xe2: {  	v4 =	vmul.u32 $0x50, v55  }
0xe3: {  	v3 =	vand.u32 $0x7, v3  }
0xe4: {  	v3 =	vor.u32 v3, v4  }
0xe5: {  	v4 =	vperm.xlane v3, v0;
	_ =	sdelay $0x1  }
0xe6: {  	v4 =	vadd.s32 v1, v4;
	_ =	sdelay $0x3  }
0xe7: {  	s13 =	simm.s32 $0x5100  }
0xe8: {  	[tilespmem:s13], [sflag:$0x1] =	stream.indirect_vreg.gather [hbm4b:s3+s2], $0x80, v4, vm0, $0xb8;
	[tilespmem:$0x1E100] =	vst v63  }
0xe9: {  	s30 =	simm.s32 $0x5900  }
0xea: {  	[tilespmem:s30], [sflag:$0x1] =	stream.indirect_vreg.gather [hbm4b:s5+s2], $0x80, v4, vm0, $0xb8;
	[tilespmem:$0x1E100] =	vst v63  }
0xeb: {  	v3 =	vperm.xlane v3, v2;
	s13 =	simm.s32 $0x6100  }
0xec: {  	[tilespmem:s13], [sflag:$0x1] =	stream.indirect_vreg.gather [hbm4b:s6+s2], $0x80, v4, vm0, $0xb8;
	[tilespmem:$0x1E100] =	vst v63  }
0xed: {  	v3 =	vadd.s32 v1, v3;
	s30 =	simm.s32 $0x6900  }
0xee: {  	[tilespmem:s30], [sflag:$0x1] =	stream.indirect_vreg.gather [hbm4b:s7+s2], $0x80, v4, vm0, $0xb8;
	[tilespmem:$0x1E100] =	vst v63  }
0xef: {  	s13 =	simm.s32 $0x7100  }
0xf0: {  	[tilespmem:s13], [sflag:$0x1] =	stream.indirect_vreg.gather [hbm4b:s8+s2], $0x80, v4, vm0, $0xb8;
	[tilespmem:$0x1E100] =	vst v63  }
0xf1: {  	s30 =	simm.s32 $0x7900  }
0xf2: {  	[tilespmem:s30], [sflag:$0x1] =	stream.indirect_vreg.gather [hbm4b:s3+s2], $0x80, v3, vm0, $0xb8;
	[tilespmem:$0x1E100] =	vst v63  }
0xf3: {  	s13 =	simm.s32 $0x8100  }
0xf4: {  	[tilespmem:s13], [sflag:$0x1] =	stream.indirect_vreg.gather [hbm4b:s5+s2], $0x80, v3, vm0, $0xb8;
	[tilespmem:$0x1E100] =	vst v63  }
0xf5: {  	s30 =	simm.s32 $0x8900  }
0xf6: {  	[tilespmem:s30], [sflag:$0x1] =	stream.indirect_vreg.gather [hbm4b:s6+s2], $0x80, v3, vm0, $0xb8;
	[tilespmem:$0x1E100] =	vst v63  }
0xf7: {  	s13 =	simm.s32 $0x9100  }
0xf8: {  	[tilespmem:s13], [sflag:$0x1] =	stream.indirect_vreg.gather [hbm4b:s7+s2], $0x80, v3, vm0, $0xb8;
	[tilespmem:$0x1E100] =	vst v63  }
0xf9: {  	s30 =	simm.s32 $0x9900  }
0xfa: {  	[tilespmem:s30], [sflag:$0x1] =	stream.indirect_vreg.gather [hbm4b:s8+s2], $0x80, v3, vm0, $0xb8;
	[tilespmem:$0x1E100] =	vst v63  }
0xfb: {  	s30 =	simm.s32 $0x3  }
0xfc: {  	_ =	swait.ge [sflag:s30], $0xA000  }
0xfd: {  	[sflag:s30] =	ssyncset.done $0x0  }
0xfe: {  	s12 =	rddreg [dreg:$0x5];
	[sflag:s30] =	ssyncadd.s32 $0xFFFF6000  }
0xff: {  	[hbm4b:s12+s2] =	stream.linear.scatter [tilespmem:s11], [sflag:$0x6], $0xA000, $0x38;
	[tilespmem:$0x1E100] =	vst v63  }
0x100: {  	_ =	swait.ge [sflag:s10], $0xA000  }
0x101: {  	[sflag:s10] =	ssyncset.done $0x0  }
0x102: {  	[sflag:s10] =	ssyncadd.s32 $0xFFFF6000  }
0x103: {  	v3 =	vld [tilespmem:$0x80];
	_ =	sdelay $0x4  }
0x104: {  	v56 =	vshrl.u32 v3, $0x3  }
0x105: {  	v4 =	vmul.u32 $0x50, v56  }
0x106: {  	v3 =	vand.u32 $0x7, v3  }
0x107: {  	v3 =	vor.u32 v3, v4  }
0x108: {  	v4 =	vperm.xlane v3, v0;
	_ =	sdelay $0x1  }
0x109: {  	v4 =	vadd.s32 v1, v4;
	_ =	sdelay $0x4  }
0x10a: {  	[tilespmem:s4], [sflag:$0x2] =	stream.indirect_vreg.gather [hbm4b:s3+s2], $0x80, v4, vm0, $0xb8;
	[tilespmem:$0x1E100] =	vst v63  }
0x10b: {  	s13 =	simm.s32 $0xA900  }
0x10c: {  	[tilespmem:s13], [sflag:$0x2] =	stream.indirect_vreg.gather [hbm4b:s5+s2], $0x80, v4, vm0, $0xb8;
	[tilespmem:$0x1E100] =	vst v63  }
0x10d: {  	v3 =	vperm.xlane v3, v2;
	s13 =	simm.s32 $0xB100  }
0x10e: {  	[tilespmem:s13], [sflag:$0x2] =	stream.indirect_vreg.gather [hbm4b:s6+s2], $0x80, v4, vm0, $0xb8;
	[tilespmem:$0x1E100] =	vst v63  }
0x10f: {  	v3 =	vadd.s32 v1, v3;
	s13 =	simm.s32 $0xB900  }
0x110: {  	[tilespmem:s13], [sflag:$0x2] =	stream.indirect_vreg.gather [hbm4b:s7+s2], $0x80, v4, vm0, $0xb8;
	[tilespmem:$0x1E100] =	vst v63  }
0x111: {  	s13 =	simm.s32 $0xC100  }
0x112: {  	[tilespmem:s13], [sflag:$0x2] =	stream.indirect_vreg.gather [hbm4b:s8+s2], $0x80, v4, vm0, $0xb8;
	[tilespmem:$0x1E100] =	vst v63  }
0x113: {  	s13 =	simm.s32 $0xC900  }
0x114: {  	[tilespmem:s13], [sflag:$0x2] =	stream.indirect_vreg.gather [hbm4b:s3+s2], $0x80, v3, vm0, $0xb8;
	[tilespmem:$0x1E100] =	vst v63  }
0x115: {  	s13 =	simm.s32 $0xD100  }
0x116: {  	[tilespmem:s13], [sflag:$0x2] =	stream.indirect_vreg.gather [hbm4b:s5+s2], $0x80, v3, vm0, $0xb8;
	[tilespmem:$0x1E100] =	vst v63  }
0x117: {  	s13 =	simm.s32 $0xD900  }
0x118: {  	[tilespmem:s13], [sflag:$0x2] =	stream.indirect_vreg.gather [hbm4b:s6+s2], $0x80, v3, vm0, $0xb8;
	[tilespmem:$0x1E100] =	vst v63  }
0x119: {  	s13 =	simm.s32 $0xE100  }
0x11a: {  	[tilespmem:s13], [sflag:$0x2] =	stream.indirect_vreg.gather [hbm4b:s7+s2], $0x80, v3, vm0, $0xb8;
	[tilespmem:$0x1E100] =	vst v63  }
0x11b: {  	s13 =	simm.s32 $0xE900  }
0x11c: {  	[tilespmem:s13], [sflag:$0x2] =	stream.indirect_vreg.gather [hbm4b:s8+s2], $0x80, v3, vm0, $0xb8;
	[tilespmem:$0x1E100] =	vst v63  }
0x11d: {  	v3 =	vld [tilespmem:$0x90];
	_ =	sdelay $0x4  }
0x11e: {  	v57 =	vshrl.u32 v3, $0x3  }
0x11f: {  	v4 =	vmul.u32 $0x50, v57  }
0x120: {  	v3 =	vand.u32 $0x7, v3  }
0x121: {  	v3 =	vor.u32 v3, v4  }
0x122: {  	v4 =	vperm.xlane v3, v0;
	_ =	sdelay $0x1  }
0x123: {  	v4 =	vadd.s32 v1, v4;
	_ =	sdelay $0x3  }
0x124: {  	s13 =	simm.s32 $0xF100  }
0x125: {  	[tilespmem:s13], [sflag:$0x2] =	stream.indirect_vreg.gather [hbm4b:s3+s2], $0x80, v4, vm0, $0xb8;
	[tilespmem:$0x1E100] =	vst v63  }
0x126: {  	s13 =	simm.s32 $0xF900  }
0x127: {  	[tilespmem:s13], [sflag:$0x2] =	stream.indirect_vreg.gather [hbm4b:s5+s2], $0x80, v4, vm0, $0xb8;
	[tilespmem:$0x1E100] =	vst v63  }
0x128: {  	v3 =	vperm.xlane v3, v2;
	s13 =	simm.s32 $0x10100  }
0x129: {  	[tilespmem:s13], [sflag:$0x2] =	stream.indirect_vreg.gather [hbm4b:s6+s2], $0x80, v4, vm0, $0xb8;
	[tilespmem:$0x1E100] =	vst v63  }
0x12a: {  	v3 =	vadd.s32 v1, v3;
	s13 =	simm.s32 $0x10900  }
0x12b: {  	[tilespmem:s13], [sflag:$0x2] =	stream.indirect_vreg.gather [hbm4b:s7+s2], $0x80, v4, vm0, $0xb8;
	[tilespmem:$0x1E100] =	vst v63  }
0x12c: {  	s13 =	simm.s32 $0x11100  }
0x12d: {  	[tilespmem:s13], [sflag:$0x2] =	stream.indirect_vreg.gather [hbm4b:s8+s2], $0x80, v4, vm0, $0xb8;
	[tilespmem:$0x1E100] =	vst v63  }
0x12e: {  	s13 =	simm.s32 $0x11900  }
0x12f: {  	[tilespmem:s13], [sflag:$0x2] =	stream.indirect_vreg.gather [hbm4b:s3+s2], $0x80, v3, vm0, $0xb8;
	[tilespmem:$0x1E100] =	vst v63  }
0x130: {  	s13 =	simm.s32 $0x12100  }
0x131: {  	[tilespmem:s13], [sflag:$0x2] =	stream.indirect_vreg.gather [hbm4b:s5+s2], $0x80, v3, vm0, $0xb8;
	[tilespmem:$0x1E100] =	vst v63  }
0x132: {  	s13 =	simm.s32 $0x12900  }
0x133: {  	[tilespmem:s13], [sflag:$0x2] =	stream.indirect_vreg.gather [hbm4b:s6+s2], $0x80, v3, vm0, $0xb8;
	[tilespmem:$0x1E100] =	vst v63  }
0x134: {  	s13 =	simm.s32 $0x13100  }
0x135: {  	[tilespmem:s13], [sflag:$0x2] =	stream.indirect_vreg.gather [hbm4b:s7+s2], $0x80, v3, vm0, $0xb8;
	[tilespmem:$0x1E100] =	vst v63  }
0x136: {  	s13 =	simm.s32 $0x13900  }
0x137: {  	[tilespmem:s13], [sflag:$0x2] =	stream.indirect_vreg.gather [hbm4b:s8+s2], $0x80, v3, vm0, $0xb8;
	[tilespmem:$0x1E100] =	vst v63  }
0x138: {  	_ =	swait.ge [sflag:s14], $0xA000  }
0x139: {  	[sflag:s14] =	ssyncset.done $0x0  }
0x13a: {  	s12 =	rddreg [dreg:$0x6];
	[sflag:s14] =	ssyncadd.s32 $0xFFFF6000  }
0x13b: {  	[hbm4b:s12+s2] =	stream.linear.scatter [tilespmem:s1], [sflag:$0x4], $0xA000, $0x38;
	[tilespmem:$0x1E100] =	vst v63  }
0x13c: {  	s12 =	simm.s32 $0x6  }
0x13d: {  	_ =	swait.ge [sflag:s12], $0xA000  }
0x13e: {  	[sflag:s12] =	ssyncset.done $0x0  }
0x13f: {  	[sflag:s12] =	ssyncadd.s32 $0xFFFF6000  }
0x140: {  	v3 =	vld [tilespmem:$0xA0];
	_ =	sdelay $0x4  }
0x141: {  	v58 =	vshrl.u32 v3, $0x3  }
0x142: {  	v4 =	vmul.u32 $0x50, v58  }
0x143: {  	v3 =	vand.u32 $0x7, v3  }
0x144: {  	v3 =	vor.u32 v3, v4  }
0x145: {  	v4 =	vperm.xlane v3, v0;
	_ =	sdelay $0x1  }
0x146: {  	v4 =	vadd.s32 v1, v4;
	_ =	sdelay $0x4  }
0x147: {  	[tilespmem:s11], [sflag:$0x3] =	stream.indirect_vreg.gather [hbm4b:s3+s2], $0x80, v4, vm0, $0xb8;
	[tilespmem:$0x1E100] =	vst v63  }
0x148: {  	s13 =	simm.s32 $0x14900  }
0x149: {  	[tilespmem:s13], [sflag:$0x3] =	stream.indirect_vreg.gather [hbm4b:s5+s2], $0x80, v4, vm0, $0xb8;
	[tilespmem:$0x1E100] =	vst v63  }
0x14a: {  	v3 =	vperm.xlane v3, v2  }
0x14b: {  	[tilespmem:s15], [sflag:$0x3] =	stream.indirect_vreg.gather [hbm4b:s6+s2], $0x80, v4, vm0, $0xb8;
	[tilespmem:$0x1E100] =	vst v63  }
0x14c: {  	v3 =	vadd.s32 v1, v3  }
0x14d: {  	[tilespmem:s16], [sflag:$0x3] =	stream.indirect_vreg.gather [hbm4b:s7+s2], $0x80, v4, vm0, $0xb8;
	[tilespmem:$0x1E100] =	vst v63  }
0x14e: {  	_ = 	snop  }
0x14f: {  	[tilespmem:s17], [sflag:$0x3] =	stream.indirect_vreg.gather [hbm4b:s8+s2], $0x80, v4, vm0, $0xb8;
	[tilespmem:$0x1E100] =	vst v63  }
0x150: {  	_ = 	snop  }
0x151: {  	[tilespmem:s18], [sflag:$0x3] =	stream.indirect_vreg.gather [hbm4b:s3+s2], $0x80, v3, vm0, $0xb8;
	[tilespmem:$0x1E100] =	vst v63  }
0x152: {  	_ = 	snop  }
0x153: {  	[tilespmem:s19], [sflag:$0x3] =	stream.indirect_vreg.gather [hbm4b:s5+s2], $0x80, v3, vm0, $0xb8;
	[tilespmem:$0x1E100] =	vst v63  }
0x154: {  	_ = 	snop  }
0x155: {  	[tilespmem:s20], [sflag:$0x3] =	stream.indirect_vreg.gather [hbm4b:s6+s2], $0x80, v3, vm0, $0xb8;
	[tilespmem:$0x1E100] =	vst v63  }
0x156: {  	_ = 	snop  }
0x157: {  	[tilespmem:s21], [sflag:$0x3] =	stream.indirect_vreg.gather [hbm4b:s7+s2], $0x80, v3, vm0, $0xb8;
	[tilespmem:$0x1E100] =	vst v63  }
0x158: {  	_ = 	snop  }
0x159: {  	[tilespmem:s22], [sflag:$0x3] =	stream.indirect_vreg.gather [hbm4b:s8+s2], $0x80, v3, vm0, $0xb8;
	[tilespmem:$0x1E100] =	vst v63  }
0x15a: {  	v3 =	vld [tilespmem:$0xB0];
	_ =	sdelay $0x4  }
0x15b: {  	v59 =	vshrl.u32 v3, $0x3  }
0x15c: {  	v4 =	vmul.u32 $0x50, v59  }
0x15d: {  	v3 =	vand.u32 $0x7, v3  }
0x15e: {  	v3 =	vor.u32 v3, v4  }
0x15f: {  	v4 =	vperm.xlane v3, v0;
	_ =	sdelay $0x1  }
0x160: {  	v4 =	vadd.s32 v1, v4;
	_ =	sdelay $0x4  }
0x161: {  	[tilespmem:s23], [sflag:$0x3] =	stream.indirect_vreg.gather [hbm4b:s3+s2], $0x80, v4, vm0, $0xb8;
	[tilespmem:$0x1E100] =	vst v63  }
0x162: {  	_ = 	snop  }
0x163: {  	[tilespmem:s24], [sflag:$0x3] =	stream.indirect_vreg.gather [hbm4b:s5+s2], $0x80, v4, vm0, $0xb8;
	[tilespmem:$0x1E100] =	vst v63  }
0x164: {  	v3 =	vperm.xlane v3, v2  }
0x165: {  	[tilespmem:s25], [sflag:$0x3] =	stream.indirect_vreg.gather [hbm4b:s6+s2], $0x80, v4, vm0, $0xb8;
	[tilespmem:$0x1E100] =	vst v63  }
0x166: {  	v3 =	vadd.s32 v1, v3  }
0x167: {  	[tilespmem:s26], [sflag:$0x3] =	stream.indirect_vreg.gather [hbm4b:s7+s2], $0x80, v4, vm0, $0xb8;
	[tilespmem:$0x1E100] =	vst v63  }
0x168: {  	_ = 	snop  }
0x169: {  	[tilespmem:s28], [sflag:$0x3] =	stream.indirect_vreg.gather [hbm4b:s8+s2], $0x80, v4, vm0, $0xb8;
	[tilespmem:$0x1E100] =	vst v63  }
0x16a: {  	_ = 	snop  }
0x16b: {  	[tilespmem:s29], [sflag:$0x3] =	stream.indirect_vreg.gather [hbm4b:s3+s2], $0x80, v3, vm0, $0xb8;
	[tilespmem:$0x1E100] =	vst v63  }
0x16c: {  	s13 =	simm.s32 $0x1C100  }
0x16d: {  	[tilespmem:s13], [sflag:$0x3] =	stream.indirect_vreg.gather [hbm4b:s5+s2], $0x80, v3, vm0, $0xb8;
	[tilespmem:$0x1E100] =	vst v63  }
0x16e: {  	s13 =	simm.s32 $0x1C900  }
0x16f: {  	[tilespmem:s13], [sflag:$0x3] =	stream.indirect_vreg.gather [hbm4b:s6+s2], $0x80, v3, vm0, $0xb8;
	[tilespmem:$0x1E100] =	vst v63  }
0x170: {  	s13 =	simm.s32 $0x1D100  }
0x171: {  	[tilespmem:s13], [sflag:$0x3] =	stream.indirect_vreg.gather [hbm4b:s7+s2], $0x80, v3, vm0, $0xb8;
	[tilespmem:$0x1E100] =	vst v63  }
0x172: {  	s13 =	simm.s32 $0x1D900  }
0x173: {  	[tilespmem:s13], [sflag:$0x3] =	stream.indirect_vreg.gather [hbm4b:s8+s2], $0x80, v3, vm0, $0xb8;
	[tilespmem:$0x1E100] =	vst v63  }
0x174: {  	_ =	swait.ge [sflag:s31], $0xA000  }
0x175: {  	[sflag:s31] =	ssyncset.done $0x0  }
0x176: {  	s13 =	rddreg [dreg:$0x7];
	[sflag:s31] =	ssyncadd.s32 $0xFFFF6000  }
0x177: {  	[hbm4b:s13+s2] =	stream.linear.scatter [tilespmem:s4], [sflag:$0x5], $0xA000, $0x38;
	[tilespmem:$0x1E100] =	vst v63  }
0x178: {  	_ =	swait.ge [sflag:s0], $0xA000  }
0x179: {  	[sflag:s0] =	ssyncset.done $0x0  }
0x17a: {  	[sflag:s0] =	ssyncadd.s32 $0xFFFF6000  }
0x17b: {  	v3 =	vld [tilespmem:$0xC0];
	_ =	sdelay $0x4  }
0x17c: {  	v60 =	vshrl.u32 v3, $0x3  }
0x17d: {  	v4 =	vmul.u32 $0x50, v60  }
0x17e: {  	v3 =	vand.u32 $0x7, v3  }
0x17f: {  	v3 =	vor.u32 v3, v4  }
0x180: {  	v4 =	vperm.xlane v3, v0;
	_ =	sdelay $0x1  }
0x181: {  	v4 =	vadd.s32 v1, v4;
	_ =	sdelay $0x4  }
0x182: {  	[tilespmem:s1], [sflag:$0x1] =	stream.indirect_vreg.gather [hbm4b:s3+s2], $0x80, v4, vm0, $0xb8;
	[tilespmem:$0x1E100] =	vst v63  }
0x183: {  	s13 =	simm.s32 $0x900  }
0x184: {  	[tilespmem:s13], [sflag:$0x1] =	stream.indirect_vreg.gather [hbm4b:s5+s2], $0x80, v4, vm0, $0xb8;
	[tilespmem:$0x1E100] =	vst v63  }
0x185: {  	v3 =	vperm.xlane v3, v2;
	s13 =	simm.s32 $0x1100  }
0x186: {  	[tilespmem:s13], [sflag:$0x1] =	stream.indirect_vreg.gather [hbm4b:s6+s2], $0x80, v4, vm0, $0xb8;
	[tilespmem:$0x1E100] =	vst v63  }
0x187: {  	v3 =	vadd.s32 v1, v3;
	s13 =	simm.s32 $0x1900  }
0x188: {  	[tilespmem:s13], [sflag:$0x1] =	stream.indirect_vreg.gather [hbm4b:s7+s2], $0x80, v4, vm0, $0xb8;
	[tilespmem:$0x1E100] =	vst v63  }
0x189: {  	s13 =	simm.s32 $0x2100  }
0x18a: {  	[tilespmem:s13], [sflag:$0x1] =	stream.indirect_vreg.gather [hbm4b:s8+s2], $0x80, v4, vm0, $0xb8;
	[tilespmem:$0x1E100] =	vst v63  }
0x18b: {  	s13 =	simm.s32 $0x2900  }
0x18c: {  	[tilespmem:s13], [sflag:$0x1] =	stream.indirect_vreg.gather [hbm4b:s3+s2], $0x80, v3, vm0, $0xb8;
	[tilespmem:$0x1E100] =	vst v63  }
0x18d: {  	s13 =	simm.s32 $0x3100  }
0x18e: {  	[tilespmem:s13], [sflag:$0x1] =	stream.indirect_vreg.gather [hbm4b:s5+s2], $0x80, v3, vm0, $0xb8;
	[tilespmem:$0x1E100] =	vst v63  }
0x18f: {  	s13 =	simm.s32 $0x3900  }
0x190: {  	[tilespmem:s13], [sflag:$0x1] =	stream.indirect_vreg.gather [hbm4b:s6+s2], $0x80, v3, vm0, $0xb8;
	[tilespmem:$0x1E100] =	vst v63  }
0x191: {  	s13 =	simm.s32 $0x4100  }
0x192: {  	[tilespmem:s13], [sflag:$0x1] =	stream.indirect_vreg.gather [hbm4b:s7+s2], $0x80, v3, vm0, $0xb8;
	[tilespmem:$0x1E100] =	vst v63  }
0x193: {  	s13 =	simm.s32 $0x4900  }
0x194: {  	[tilespmem:s13], [sflag:$0x1] =	stream.indirect_vreg.gather [hbm4b:s8+s2], $0x80, v3, vm0, $0xb8;
	[tilespmem:$0x1E100] =	vst v63  }
0x195: {  	v3 =	vld [tilespmem:$0xD0];
	_ =	sdelay $0x4  }
0x196: {  	v61 =	vshrl.u32 v3, $0x3  }
0x197: {  	v4 =	vmul.u32 $0x50, v61  }
0x198: {  	v3 =	vand.u32 $0x7, v3  }
0x199: {  	v3 =	vor.u32 v3, v4  }
0x19a: {  	v4 =	vperm.xlane v3, v0;
	_ =	sdelay $0x1  }
0x19b: {  	v4 =	vadd.s32 v1, v4;
	_ =	sdelay $0x3  }
0x19c: {  	s13 =	simm.s32 $0x5100  }
0x19d: {  	[tilespmem:s13], [sflag:$0x1] =	stream.indirect_vreg.gather [hbm4b:s3+s2], $0x80, v4, vm0, $0xb8;
	[tilespmem:$0x1E100] =	vst v63  }
0x19e: {  	s13 =	simm.s32 $0x5900  }
0x19f: {  	[tilespmem:s13], [sflag:$0x1] =	stream.indirect_vreg.gather [hbm4b:s5+s2], $0x80, v4, vm0, $0xb8;
	[tilespmem:$0x1E100] =	vst v63  }
0x1a0: {  	v3 =	vperm.xlane v3, v2;
	s13 =	simm.s32 $0x6100  }
0x1a1: {  	[tilespmem:s13], [sflag:$0x1] =	stream.indirect_vreg.gather [hbm4b:s6+s2], $0x80, v4, vm0, $0xb8;
	[tilespmem:$0x1E100] =	vst v63  }
0x1a2: {  	v3 =	vadd.s32 v1, v3;
	s13 =	simm.s32 $0x6900  }
0x1a3: {  	[tilespmem:s13], [sflag:$0x1] =	stream.indirect_vreg.gather [hbm4b:s7+s2], $0x80, v4, vm0, $0xb8;
	[tilespmem:$0x1E100] =	vst v63  }
0x1a4: {  	s13 =	simm.s32 $0x7100  }
0x1a5: {  	[tilespmem:s13], [sflag:$0x1] =	stream.indirect_vreg.gather [hbm4b:s8+s2], $0x80, v4, vm0, $0xb8;
	[tilespmem:$0x1E100] =	vst v63  }
0x1a6: {  	s13 =	simm.s32 $0x7900  }
0x1a7: {  	[tilespmem:s13], [sflag:$0x1] =	stream.indirect_vreg.gather [hbm4b:s3+s2], $0x80, v3, vm0, $0xb8;
	[tilespmem:$0x1E100] =	vst v63  }
0x1a8: {  	s13 =	simm.s32 $0x8100  }
0x1a9: {  	[tilespmem:s13], [sflag:$0x1] =	stream.indirect_vreg.gather [hbm4b:s5+s2], $0x80, v3, vm0, $0xb8;
	[tilespmem:$0x1E100] =	vst v63  }
0x1aa: {  	s13 =	simm.s32 $0x8900  }
0x1ab: {  	[tilespmem:s13], [sflag:$0x1] =	stream.indirect_vreg.gather [hbm4b:s6+s2], $0x80, v3, vm0, $0xb8;
	[tilespmem:$0x1E100] =	vst v63  }
0x1ac: {  	s13 =	simm.s32 $0x9100  }
0x1ad: {  	[tilespmem:s13], [sflag:$0x1] =	stream.indirect_vreg.gather [hbm4b:s7+s2], $0x80, v3, vm0, $0xb8;
	[tilespmem:$0x1E100] =	vst v63  }
0x1ae: {  	s13 =	simm.s32 $0x9900  }
0x1af: {  	[tilespmem:s13], [sflag:$0x1] =	stream.indirect_vreg.gather [hbm4b:s8+s2], $0x80, v3, vm0, $0xb8;
	[tilespmem:$0x1E100] =	vst v63  }
0x1b0: {  	_ =	swait.ge [sflag:s30], $0xA000  }
0x1b1: {  	[sflag:s30] =	ssyncset.done $0x0  }
0x1b2: {  	s13 =	rddreg [dreg:$0x8];
	[sflag:s30] =	ssyncadd.s32 $0xFFFF6000  }
0x1b3: {  	[hbm4b:s13+s2] =	stream.linear.scatter [tilespmem:s11], [sflag:$0x6], $0xA000, $0x38;
	[tilespmem:$0x1E100] =	vst v63  }
0x1b4: {  	_ =	swait.ge [sflag:s10], $0xA000  }
0x1b5: {  	[sflag:s10] =	ssyncset.done $0x0  }
0x1b6: {  	[sflag:s10] =	ssyncadd.s32 $0xFFFF6000  }
0x1b7: {  	v3 =	vld [tilespmem:$0xE0];
	_ =	sdelay $0x4  }
0x1b8: {  	v62 =	vshrl.u32 v3, $0x3  }
0x1b9: {  	v4 =	vmul.u32 $0x50, v62  }
0x1ba: {  	v3 =	vand.u32 $0x7, v3  }
0x1bb: {  	v3 =	vor.u32 v3, v4  }
0x1bc: {  	v4 =	vperm.xlane v3, v0;
	_ =	sdelay $0x1  }
0x1bd: {  	v4 =	vadd.s32 v1, v4;
	_ =	sdelay $0x4  }
0x1be: {  	[tilespmem:s4], [sflag:$0x2] =	stream.indirect_vreg.gather [hbm4b:s3+s2], $0x80, v4, vm0, $0xb8;
	[tilespmem:$0x1E100] =	vst v63  }
0x1bf: {  	s30 =	simm.s32 $0xA900  }
0x1c0: {  	[tilespmem:s30], [sflag:$0x2] =	stream.indirect_vreg.gather [hbm4b:s5+s2], $0x80, v4, vm0, $0xb8;
	[tilespmem:$0x1E100] =	vst v63  }
0x1c1: {  	s13 =	simm.s32 $0xB100;
	v3 =	vperm.xlane v3, v2  }
0x1c2: {  	[tilespmem:s13], [sflag:$0x2] =	stream.indirect_vreg.gather [hbm4b:s6+s2], $0x80, v4, vm0, $0xb8;
	[tilespmem:$0x1E100] =	vst v63  }
0x1c3: {  	v3 =	vadd.s32 v1, v3;
	s30 =	simm.s32 $0xB900  }
0x1c4: {  	[tilespmem:s30], [sflag:$0x2] =	stream.indirect_vreg.gather [hbm4b:s7+s2], $0x80, v4, vm0, $0xb8;
	[tilespmem:$0x1E100] =	vst v63  }
0x1c5: {  	s13 =	simm.s32 $0xC100  }
0x1c6: {  	[tilespmem:s13], [sflag:$0x2] =	stream.indirect_vreg.gather [hbm4b:s8+s2], $0x80, v4, vm0, $0xb8;
	[tilespmem:$0x1E100] =	vst v63  }
0x1c7: {  	s30 =	simm.s32 $0xC900  }
0x1c8: {  	[tilespmem:s30], [sflag:$0x2] =	stream.indirect_vreg.gather [hbm4b:s3+s2], $0x80, v3, vm0, $0xb8;
	[tilespmem:$0x1E100] =	vst v63  }
0x1c9: {  	s13 =	simm.s32 $0xD100  }
0x1ca: {  	[tilespmem:s13], [sflag:$0x2] =	stream.indirect_vreg.gather [hbm4b:s5+s2], $0x80, v3, vm0, $0xb8;
	[tilespmem:$0x1E100] =	vst v63  }
0x1cb: {  	s30 =	simm.s32 $0xD900  }
0x1cc: {  	[tilespmem:s30], [sflag:$0x2] =	stream.indirect_vreg.gather [hbm4b:s6+s2], $0x80, v3, vm0, $0xb8;
	[tilespmem:$0x1E100] =	vst v63  }
0x1cd: {  	s13 =	simm.s32 $0xE100  }
0x1ce: {  	[tilespmem:s13], [sflag:$0x2] =	stream.indirect_vreg.gather [hbm4b:s7+s2], $0x80, v3, vm0, $0xb8;
	[tilespmem:$0x1E100] =	vst v63  }
0x1cf: {  	s30 =	simm.s32 $0xE900  }
0x1d0: {  	[tilespmem:s30], [sflag:$0x2] =	stream.indirect_vreg.gather [hbm4b:s8+s2], $0x80, v3, vm0, $0xb8;
	[tilespmem:$0x1E100] =	vst v63  }
0x1d1: {  	v3 =	vld [tilespmem:$0xF0];
	_ =	sdelay $0x4  }
0x1d2: {  	v63 =	vshrl.u32 v3, $0x3  }
0x1d3: {  	v4 =	vmul.u32 $0x50, v63  }
0x1d4: {  	v3 =	vand.u32 $0x7, v3  }
0x1d5: {  	v3 =	vor.u32 v3, v4  }
0x1d6: {  	v4 =	vperm.xlane v3, v0;
	_ =	sdelay $0x1  }
0x1d7: {  	v4 =	vadd.s32 v1, v4;
	_ =	sdelay $0x3  }
0x1d8: {  	s13 =	simm.s32 $0xF100  }
0x1d9: {  	[tilespmem:s13], [sflag:$0x2] =	stream.indirect_vreg.gather [hbm4b:s3+s2], $0x80, v4, vm0, $0xb8;
	[tilespmem:$0x1E100] =	vst v63  }
0x1da: {  	s30 =	simm.s32 $0xF900  }
0x1db: {  	[tilespmem:s30], [sflag:$0x2] =	stream.indirect_vreg.gather [hbm4b:s5+s2], $0x80, v4, vm0, $0xb8;
	[tilespmem:$0x1E100] =	vst v63  }
0x1dc: {  	v3 =	vperm.xlane v3, v2;
	s13 =	simm.s32 $0x10100  }
0x1dd: {  	[tilespmem:s13], [sflag:$0x2] =	stream.indirect_vreg.gather [hbm4b:s6+s2], $0x80, v4, vm0, $0xb8;
	[tilespmem:$0x1E100] =	vst v63  }
0x1de: {  	v3 =	vadd.s32 v1, v3;
	s30 =	simm.s32 $0x10900  }
0x1df: {  	[tilespmem:s30], [sflag:$0x2] =	stream.indirect_vreg.gather [hbm4b:s7+s2], $0x80, v4, vm0, $0xb8;
	[tilespmem:$0x1E100] =	vst v63  }
0x1e0: {  	s13 =	simm.s32 $0x11100  }
0x1e1: {  	[tilespmem:s13], [sflag:$0x2] =	stream.indirect_vreg.gather [hbm4b:s8+s2], $0x80, v4, vm0, $0xb8;
	[tilespmem:$0x1E100] =	vst v63  }
0x1e2: {  	s30 =	simm.s32 $0x11900  }
0x1e3: {  	[tilespmem:s30], [sflag:$0x2] =	stream.indirect_vreg.gather [hbm4b:s3+s2], $0x80, v3, vm0, $0xb8;
	[tilespmem:$0x1E100] =	vst v63  }
0x1e4: {  	s13 =	simm.s32 $0x12100  }
0x1e5: {  	[tilespmem:s13], [sflag:$0x2] =	stream.indirect_vreg.gather [hbm4b:s5+s2], $0x80, v3, vm0, $0xb8;
	[tilespmem:$0x1E100] =	vst v63  }
0x1e6: {  	s30 =	simm.s32 $0x12900  }
0x1e7: {  	[tilespmem:s30], [sflag:$0x2] =	stream.indirect_vreg.gather [hbm4b:s6+s2], $0x80, v3, vm0, $0xb8;
	[tilespmem:$0x1E100] =	vst v63  }
0x1e8: {  	s13 =	simm.s32 $0x13100  }
0x1e9: {  	[tilespmem:s13], [sflag:$0x2] =	stream.indirect_vreg.gather [hbm4b:s7+s2], $0x80, v3, vm0, $0xb8;
	[tilespmem:$0x1E100] =	vst v63  }
0x1ea: {  	s30 =	simm.s32 $0x13900  }
0x1eb: {  	[tilespmem:s30], [sflag:$0x2] =	stream.indirect_vreg.gather [hbm4b:s8+s2], $0x80, v3, vm0, $0xb8;
	[tilespmem:$0x1E100] =	vst v63  }
0x1ec: {  	_ =	swait.ge [sflag:s14], $0xA000  }
0x1ed: {  	[sflag:s14] =	ssyncset.done $0x0  }
0x1ee: {  	s11 =	rddreg [dreg:$0x9];
	[sflag:s14] =	ssyncadd.s32 $0xFFFF6000  }
0x1ef: {  	[hbm4b:s11+s2] =	stream.linear.scatter [tilespmem:s1], [sflag:$0x4], $0xA000, $0x38;
	[tilespmem:$0x1E100] =	vst v63  }
0x1f0: {  	_ =	swait.ge [sflag:s31], $0xA000  }
0x1f1: {  	[sflag:s31] =	ssyncset.done $0x0  }
0x1f2: {  	s30 =	rddreg [dreg:$0xa];
	[sflag:s31] =	ssyncadd.s32 $0xFFFF6000  }
0x1f3: {  	[hbm4b:s30+s2] =	stream.linear.scatter [tilespmem:s4], [sflag:$0x5], $0xA000, $0x38;
	[tilespmem:$0x1E100] =	vst v63  }
0x1f4: {  	_ =	swait.ge [sflag:s12], $0xA000  }
0x1f5: {  	[sflag:s12] =	ssyncset.done $0x0  }
0x1f6: {  	[sflag:s12] =	ssyncadd.s32 $0xFFFF6000  }
0x1f7: {  	p0 =	sne.s32 s9, $0x1;
	_ =	swait.ge [sflag:s0], $0xA000  }
.Ltmp0:
0x1f8: {  	[sflag:s0] =	ssyncset.done $0x0;
	(pc) =	sbr.rel @p0 .LBB2_1-.Ltmp0, $4  }
0x1f9: {  	[sflag:s0] =	ssyncadd.s32 $0xFFFF6000  }
0x1fa: {  	_ =	swait.ge [sflag:s10], $0xA000  }
0x1fb: {  	[sflag:s10] =	ssyncset.done $0x0  }
0x1fc: {  	s9 =	sadd.s32 $0xFFFFFFFF, s9;
	[sflag:s10] =	ssyncadd.s32 $0xFFFF6000  }
0x1fd: {  	_ =	sfence.sel $0x180000  }
0x1fe: {  	[bflag:$0x0] =	sbarrier.arrive $0xFFFF  }
0x1ff: {  	_ =	strace $0x90000047  }
0x200: {  	s0 =	stileid.u32;
	[bflag:$0x2] =	sbarrier.arrive $0xFFFF  }
0x201: {  	p0 =	sne.s32 s0, $0x0;
	s0 =	rddreg [dreg:$0x2]  }
0x202: {  	s0 =	sadd.s32 @!p0 $0x100000, s0  }
0x203: {  	[sflag:s0] =	ssyncadd.tile.s32 @!p0 $0x1;
	_ =	shalt  }
.Lfunc_end2:
_tile_overlayer_lowered:
.L_overlay_start_2:
0x204: {  	(tag) =	ssettag $0x2  }
0x205: {  	s0 =	rddreg [dreg:$0x0];
	s2 =	stileid.u32  }
0x206: {  	s1 =	rddreg [dreg:$0x1];
	p0 =	sne.s32 s2, $0x0  }
0x207: {  	s3 =	rddreg [dreg:$0x2];
	[bflag:$0x3] =	sbarrier.arrive $0xFFFF;
	s2 =	simm.s32 @!p0 $0x1C07  }
0x208: {  	[timem:s3], [sflag:s2] =	dma.local @!p0 [hbm:s0], s1  }
0x209: {  	s0 =	simm.s32 @!p0 $0x7  }
0x20a: {  	_ =	swait.ge @!p0 [sflag:s0], s1  }
0x20b: {  	s1 =	ssub.s32 @!p0 $0x0, s1;
	[sflag:s0] =	ssyncset.done @!p0 $0x0  }
0x20c: {  	[sflag:s0] =	ssyncadd.s32 @!p0 s1  }
0x20d: {  	[bflag:$0x3] =	sbarrier.arrive $0xFFFF  }
0x20e: {  	_ =	shalt  }

</sc_bundles>
